<compile_context>
chip_gen: v7x
topology: tpu7x:2x2x1
jax: 0.10.2.dev20260603
libtpu: 0.0.44.dev20260713+nightly
codegen_flags: <defaults>
</compile_context>

<pallas_src>
import functools

import jax
import jax.numpy as jnp
from jax import lax
from jax.experimental import pallas as pl
from jax.experimental.pallas import tpu as pltpu
from jax.experimental.pallas import tpu_sc as plsc

_NC = 2
_NS = 16
_NW = _NC * _NS
_LANES = 16
_CHUNKS = (64, 48, 64, 48, 32)
_BUF_ROWS = (64, 48)


@functools.partial(jax.jit, static_argnums=(1, 2, 3))
def _broadcast_rows(emb_table, batch, max_len, d):
    rows_per_w = max_len // _NW
    assert sum(_CHUNKS) == rows_per_w
    n_chunks = len(_CHUNKS)
    starts = [sum(_CHUNKS[:i]) for i in range(n_chunks)]

    def body(table_hbm, out_hbm, buf0, buf1, idx0, idx1, idx_last, in_sem, out_sem):
        c = lax.axis_index("c")
        s = lax.axis_index("s")
        wid = s * _NC + c
        base = wid * rows_per_w
        lane = lax.iota(jnp.int32, _LANES)

        def refs_for(i):
            size = _CHUNKS[i]
            buf = (buf0, buf1)[i % 2]
            if size == _BUF_ROWS[i % 2]:
                idx = (idx0, idx1)[i % 2]
            else:
                idx = idx_last
                buf = buf.at[pl.ds(0, size)]
            return buf, idx, size

        def in_copy(i):
            buf, idx, size = refs_for(i)
            row0 = base + starts[i] + 1
            for j in range(size // _LANES):
                idx[pl.ds(j * _LANES, _LANES)] = row0 + j * _LANES + lane
            return pltpu.make_async_copy(table_hbm.at[idx], buf, in_sem)

        def out_copies(i):
            buf, _, size = refs_for(i)
            row0 = base + starts[i]
            return [
                pltpu.make_async_copy(
                    buf, out_hbm.at[b, pl.ds(row0, size)], out_sem)
                for b in range(batch)
            ]

        in_h = [None] * n_chunks
        out_h = [None] * n_chunks
        in_h[0] = in_copy(0)
        in_h[0].start()
        drained = 0
        for i in range(n_chunks):
            in_h[i].wait()
            out_h[i] = out_copies(i)
            for cp in out_h[i]:
                cp.start()
            if i + 1 < n_chunks:
                if i >= 1:
                    for cp in out_h[i - 1]:
                        cp.wait()
                    drained = i
                in_h[i + 1] = in_copy(i + 1)
                in_h[i + 1].start()
        for i in range(drained, n_chunks):
            for cp in out_h[i]:
                cp.wait()

    return pl.kernel(
        body,
        out_type=jax.ShapeDtypeStruct((batch, max_len, d), emb_table.dtype),
        mesh=plsc.VectorSubcoreMesh(
            core_axis_name="c", subcore_axis_name="s",
            num_cores=_NC, num_subcores=_NS),
        scratch_types=[
            pltpu.VMEM((_BUF_ROWS[0], d), emb_table.dtype),
            pltpu.VMEM((_BUF_ROWS[1], d), emb_table.dtype),
            pltpu.VMEM((_BUF_ROWS[0],), jnp.int32),
            pltpu.VMEM((_BUF_ROWS[1],), jnp.int32),
            pltpu.VMEM((_CHUNKS[-1],), jnp.int32),
            pltpu.SemaphoreType.DMA,
            pltpu.SemaphoreType.DMA,
        ],
    )(emb_table)


def kernel(x, emb_table):
    batch, max_len = x.shape
    d = emb_table.shape[1]
    return _broadcast_rows(emb_table, batch, max_len, d)

# --- scband reference (transcript-rebuilt; emitter-appended) ---
"""Pipeline reference for scband-positional-embedding-48361331753681 (READ-ONLY COPY).

The authoritative reference and input builder live on the scoring server;
editing this copy changes nothing except your own understanding.
"""

import jax, jax.numpy as jnp
import numpy as np

POS_EMB_SIZE = 8200
D_WORD_VEC = 1024
BATCH = 4
MAX_LEN = 8192

def setup_inputs(seed: int = 0) -> dict:
    key = jax.random.key(seed)
    k1, k2 = jax.random.split(key)
    x = jax.random.randint(k1, (BATCH, MAX_LEN), 0, MAX_LEN).astype(jnp.int32)
    # nn.Embedding weight ~ N(0,1), with padding_idx=0 row zeroed
    emb_table = jax.random.normal(k2, (POS_EMB_SIZE, D_WORD_VEC), dtype=jnp.float32)
    emb_table = emb_table.at[0].set(0.0)
    return {"x": x, "emb_table": emb_table}

def reference(x, emb_table):
    # pos = arange(max_len); pos.add_(1); expand to x's shape; lookup
    batch_size, max_len = x.shape
    pos = jnp.arange(0, max_len, dtype=jnp.int32) + 1  # [max_len]
    pos = jnp.broadcast_to(pos[None, :], (batch_size, max_len))  # expand_as(x)
    emb = jnp.take(emb_table, pos, axis=0)  # [batch, max_len, d_word_vec]
    return emb

if __name__ == "__main__":
    import jax
    _d = setup_inputs()
    print(jax.jit(kernel)(*tuple(_d.values())))

</pallas_src>

<mosaic_0001>
#map = affine_map<(d0, d1) -> (0, 0)>
#map1 = affine_map<(d0, d1) -> (0, 0, 0)>
module attributes {stable_mosaic.version = 14 : i64} {
  func.func @body(%arg0: i32, %arg1: i32, %arg2: memref<8200x1024xf32, #tpu.memory_space<hbm>>, %arg3: memref<4x8192x1024xf32, #tpu.memory_space<hbm>>, %arg4: memref<64x1024xf32, #tpu.memory_space<vmem>>, %arg5: memref<48x1024xf32, #tpu.memory_space<vmem>>, %arg6: memref<64xi32, #tpu.memory_space<vmem>>, %arg7: memref<48xi32, #tpu.memory_space<vmem>>, %arg8: memref<32xi32, #tpu.memory_space<vmem>>, %arg9: memref<!tpu.dma_semaphore, #tpu.memory_space<semaphore_mem>>, %arg10: memref<!tpu.dma_semaphore, #tpu.memory_space<semaphore_mem>>) attributes {dimension_semantics = [#tpu.dimension_semantics<core_parallel>, #tpu.dimension_semantics<subcore_parallel>], iteration_bounds = array<i64: 2, 16>, scalar_prefetch = 0 : i64, scratch_operands = 7 : i64, tpu.core_type = #tpu.core_type<sc_vector_subcore>, window_params = [{transform_indices = #map}, {transform_indices = #map1}]} {
    %mul3A = arith.constant 2 : i32
    %mul3A_0 = arith.muli %arg1, %mul3A : i32
    %add3A = arith.addi %mul3A_0, %arg0 : i32
    %mul3A_1 = arith.constant 256 : i32
    %mul3A_2 = arith.muli %add3A, %mul3A_1 : i32
    %iota3A = tpu.iota {dimensions = array<i32: 0>} : vector<16xi32>
    %add3A_3 = arith.constant 0 : i32
    %add3A_4 = arith.addi %mul3A_2, %add3A_3 : i32
    %add3A_5 = arith.constant 1 : i32
    %add3A_6 = arith.addi %add3A_4, %add3A_5 : i32
    %add3A_7 = arith.constant 0 : i32
    %add3A_8 = arith.addi %add3A_6, %add3A_7 : i32
    %add3A_9 = vector.broadcast %add3A_8 : i32 to vector<16xi32>
    %add3A_10 = arith.addi %add3A_9, %iota3A : vector<16xi32>
    %swap3A = arith.constant 0 : index
    %swap3A_11 = tpu.vector_load %arg6[%swap3A] {strides = array<i32>} : memref<64xi32, #tpu.memory_space<vmem>>, vector<16xi32>,
    %swap3A_12 = vector.shape_cast %swap3A_11 : vector<16xi32> to vector<16xi32>
    %swap3A_13 = vector.shape_cast %add3A_10 : vector<16xi32> to vector<16xi32>
    tpu.vector_store %arg6[%swap3A], %swap3A_13 {strides = array<i32>} : memref<64xi32, #tpu.memory_space<vmem>>, vector<16xi32>,
    %add3A_14 = arith.constant 16 : i32
    %add3A_15 = arith.addi %add3A_6, %add3A_14 : i32
    %add3A_16 = vector.broadcast %add3A_15 : i32 to vector<16xi32>
    %add3A_17 = arith.addi %add3A_16, %iota3A : vector<16xi32>
    %swap3A_18 = arith.constant 16 : index
    %swap3A_19 = tpu.vector_load %arg6[%swap3A_18] {strides = array<i32>} : memref<64xi32, #tpu.memory_space<vmem>>, vector<16xi32>,
    %swap3A_20 = vector.shape_cast %swap3A_19 : vector<16xi32> to vector<16xi32>
    %swap3A_21 = vector.shape_cast %add3A_17 : vector<16xi32> to vector<16xi32>
    tpu.vector_store %arg6[%swap3A_18], %swap3A_21 {strides = array<i32>} : memref<64xi32, #tpu.memory_space<vmem>>, vector<16xi32>,
    %add3A_22 = arith.constant 32 : i32
    %add3A_23 = arith.addi %add3A_6, %add3A_22 : i32
    %add3A_24 = vector.broadcast %add3A_23 : i32 to vector<16xi32>
    %add3A_25 = arith.addi %add3A_24, %iota3A : vector<16xi32>
    %swap3A_26 = arith.constant 32 : index
    %swap3A_27 = tpu.vector_load %arg6[%swap3A_26] {strides = array<i32>} : memref<64xi32, #tpu.memory_space<vmem>>, vector<16xi32>,
    %swap3A_28 = vector.shape_cast %swap3A_27 : vector<16xi32> to vector<16xi32>
    %swap3A_29 = vector.shape_cast %add3A_25 : vector<16xi32> to vector<16xi32>
    tpu.vector_store %arg6[%swap3A_26], %swap3A_29 {strides = array<i32>} : memref<64xi32, #tpu.memory_space<vmem>>, vector<16xi32>,
    %add3A_30 = arith.constant 48 : i32
    %add3A_31 = arith.addi %add3A_6, %add3A_30 : i32
    %add3A_32 = vector.broadcast %add3A_31 : i32 to vector<16xi32>
    %add3A_33 = arith.addi %add3A_32, %iota3A : vector<16xi32>
    %swap3A_34 = arith.constant 48 : index
    %swap3A_35 = tpu.vector_load %arg6[%swap3A_34] {strides = array<i32>} : memref<64xi32, #tpu.memory_space<vmem>>, vector<16xi32>,
    %swap3A_36 = vector.shape_cast %swap3A_35 : vector<16xi32> to vector<16xi32>
    %swap3A_37 = vector.shape_cast %add3A_33 : vector<16xi32> to vector<16xi32>
    tpu.vector_store %arg6[%swap3A_34], %swap3A_37 {strides = array<i32>} : memref<64xi32, #tpu.memory_space<vmem>>, vector<16xi32>,
    %dma_start3A = arith.constant 0 : i32
    %dma_start3A_38 = arith.constant 0 : i32
    %dma_start3A_39 = tpu.memref_slice %arg2[%dma_start3A, %dma_start3A_38] : memref<8200x1024xf32, #tpu.memory_space<hbm>> -> memref<8200x1024xf32, #tpu.memory_space<hbm>>
    tpu.enqueue_indirect_dma source(%dma_start3A_39 : memref<8200x1024xf32, #tpu.memory_space<hbm>>) target(%arg4 : memref<64x1024xf32, #tpu.memory_space<vmem>>) offsets(%arg6 : memref<64xi32, #tpu.memory_space<vmem>>) semaphore(%arg9 : memref<!tpu.dma_semaphore, #tpu.memory_space<semaphore_mem>>)
    %dma_wait3A = arith.constant 0 : i32
    %dma_wait3A_40 = arith.constant 0 : i32
    %dma_wait3A_41 = tpu.memref_slice %arg2[%dma_wait3A, %dma_wait3A_40] : memref<8200x1024xf32, #tpu.memory_space<hbm>> -> memref<8200x1024xf32, #tpu.memory_space<hbm>>
    tpu.wait_indirect_dma semaphore(%arg9 : memref<!tpu.dma_semaphore, #tpu.memory_space<semaphore_mem>>) src(%dma_wait3A_41 : memref<8200x1024xf32, #tpu.memory_space<hbm>>) dst(%arg4 : memref<64x1024xf32, #tpu.memory_space<vmem>>)
    %add3A_42 = arith.constant 0 : i32
    %add3A_43 = arith.addi %mul3A_2, %add3A_42 : i32
    %dma_start3A_44 = arith.constant 0 : i32
    %dma_start3A_45 = arith.constant 0 : i32
    %dma_start3A_46 = tpu.memref_slice %arg3[%dma_start3A_44, %add3A_43, %dma_start3A_45] : memref<4x8192x1024xf32, #tpu.memory_space<hbm>> -> memref<1x64x1024xf32, #tpu.memory_space<hbm>>
    %dma_start3A_47 = tpu.memref_squeeze %dma_start3A_46 : memref<1x64x1024xf32, #tpu.memory_space<hbm>> -> memref<64x1024xf32, #tpu.memory_space<hbm>>
    %dma_start3A_48 = arith.constant 0 : i32
    %dma_start3A_49 = tpu.memref_slice %arg3[%dma_start3A_44, %add3A_43, %dma_start3A_48] : memref<4x8192x1024xf32, #tpu.memory_space<hbm>> -> memref<1x64x1024xf32, #tpu.memory_space<hbm>>
    %dma_start3A_50 = tpu.memref_squeeze %dma_start3A_49 : memref<1x64x1024xf32, #tpu.memory_space<hbm>> -> memref<64x1024xf32, #tpu.memory_space<hbm>>
    tpu.enqueue_dma source(%arg4 : memref<64x1024xf32, #tpu.memory_space<vmem>>) target(%dma_start3A_50 : memref<64x1024xf32, #tpu.memory_space<hbm>>) target_semaphore(%arg10 : memref<!tpu.dma_semaphore, #tpu.memory_space<semaphore_mem>>)
    %dma_start3A_51 = arith.constant 1 : i32
    %dma_start3A_52 = arith.constant 0 : i32
    %dma_start3A_53 = tpu.memref_slice %arg3[%dma_start3A_51, %add3A_43, %dma_start3A_52] : memref<4x8192x1024xf32, #tpu.memory_space<hbm>> -> memref<1x64x1024xf32, #tpu.memory_space<hbm>>
    %dma_start3A_54 = tpu.memref_squeeze %dma_start3A_53 : memref<1x64x1024xf32, #tpu.memory_space<hbm>> -> memref<64x1024xf32, #tpu.memory_space<hbm>>
    %dma_start3A_55 = arith.constant 0 : i32
    %dma_start3A_56 = tpu.memref_slice %arg3[%dma_start3A_51, %add3A_43, %dma_start3A_55] : memref<4x8192x1024xf32, #tpu.memory_space<hbm>> -> memref<1x64x1024xf32, #tpu.memory_space<hbm>>
    %dma_start3A_57 = tpu.memref_squeeze %dma_start3A_56 : memref<1x64x1024xf32, #tpu.memory_space<hbm>> -> memref<64x1024xf32, #tpu.memory_space<hbm>>
    tpu.enqueue_dma source(%arg4 : memref<64x1024xf32, #tpu.memory_space<vmem>>) target(%dma_start3A_57 : memref<64x1024xf32, #tpu.memory_space<hbm>>) target_semaphore(%arg10 : memref<!tpu.dma_semaphore, #tpu.memory_space<semaphore_mem>>)
    %dma_start3A_58 = arith.constant 2 : i32
    %dma_start3A_59 = arith.constant 0 : i32
    %dma_start3A_60 = tpu.memref_slice %arg3[%dma_start3A_58, %add3A_43, %dma_start3A_59] : memref<4x8192x1024xf32, #tpu.memory_space<hbm>> -> memref<1x64x1024xf32, #tpu.memory_space<hbm>>
    %dma_start3A_61 = tpu.memref_squeeze %dma_start3A_60 : memref<1x64x1024xf32, #tpu.memory_space<hbm>> -> memref<64x1024xf32, #tpu.memory_space<hbm>>
    %dma_start3A_62 = arith.constant 0 : i32
    %dma_start3A_63 = tpu.memref_slice %arg3[%dma_start3A_58, %add3A_43, %dma_start3A_62] : memref<4x8192x1024xf32, #tpu.memory_space<hbm>> -> memref<1x64x1024xf32, #tpu.memory_space<hbm>>
    %dma_start3A_64 = tpu.memref_squeeze %dma_start3A_63 : memref<1x64x1024xf32, #tpu.memory_space<hbm>> -> memref<64x1024xf32, #tpu.memory_space<hbm>>
    tpu.enqueue_dma source(%arg4 : memref<64x1024xf32, #tpu.memory_space<vmem>>) target(%dma_start3A_64 : memref<64x1024xf32, #tpu.memory_space<hbm>>) target_semaphore(%arg10 : memref<!tpu.dma_semaphore, #tpu.memory_space<semaphore_mem>>)
    %dma_start3A_65 = arith.constant 3 : i32
    %dma_start3A_66 = arith.constant 0 : i32
    %dma_start3A_67 = tpu.memref_slice %arg3[%dma_start3A_65, %add3A_43, %dma_start3A_66] : memref<4x8192x1024xf32, #tpu.memory_space<hbm>> -> memref<1x64x1024xf32, #tpu.memory_space<hbm>>
    %dma_start3A_68 = tpu.memref_squeeze %dma_start3A_67 : memref<1x64x1024xf32, #tpu.memory_space<hbm>> -> memref<64x1024xf32, #tpu.memory_space<hbm>>
    %dma_start3A_69 = arith.constant 0 : i32
    %dma_start3A_70 = tpu.memref_slice %arg3[%dma_start3A_65, %add3A_43, %dma_start3A_69] : memref<4x8192x1024xf32, #tpu.memory_space<hbm>> -> memref<1x64x1024xf32, #tpu.memory_space<hbm>>
    %dma_start3A_71 = tpu.memref_squeeze %dma_start3A_70 : memref<1x64x1024xf32, #tpu.memory_space<hbm>> -> memref<64x1024xf32, #tpu.memory_space<hbm>>
    tpu.enqueue_dma source(%arg4 : memref<64x1024xf32, #tpu.memory_space<vmem>>) target(%dma_start3A_71 : memref<64x1024xf32, #tpu.memory_space<hbm>>) target_semaphore(%arg10 : memref<!tpu.dma_semaphore, #tpu.memory_space<semaphore_mem>>)
    %add3A_72 = arith.constant 64 : i32
    %add3A_73 = arith.addi %mul3A_2, %add3A_72 : i32
    %add3A_74 = arith.constant 1 : i32
    %add3A_75 = arith.addi %add3A_73, %add3A_74 : i32
    %add3A_76 = arith.constant 0 : i32
    %add3A_77 = arith.addi %add3A_75, %add3A_76 : i32
    %add3A_78 = vector.broadcast %add3A_77 : i32 to vector<16xi32>
    %add3A_79 = arith.addi %add3A_78, %iota3A : vector<16xi32>
    %swap3A_80 = arith.constant 0 : index
    %swap3A_81 = tpu.vector_load %arg7[%swap3A_80] {strides = array<i32>} : memref<48xi32, #tpu.memory_space<vmem>>, vector<16xi32>,
    %swap3A_82 = vector.shape_cast %swap3A_81 : vector<16xi32> to vector<16xi32>
    %swap3A_83 = vector.shape_cast %add3A_79 : vector<16xi32> to vector<16xi32>
    tpu.vector_store %arg7[%swap3A_80], %swap3A_83 {strides = array<i32>} : memref<48xi32, #tpu.memory_space<vmem>>, vector<16xi32>,
    %add3A_84 = arith.constant 16 : i32
    %add3A_85 = arith.addi %add3A_75, %add3A_84 : i32
    %add3A_86 = vector.broadcast %add3A_85 : i32 to vector<16xi32>
    %add3A_87 = arith.addi %add3A_86, %iota3A : vector<16xi32>
    %swap3A_88 = arith.constant 16 : index
    %swap3A_89 = tpu.vector_load %arg7[%swap3A_88] {strides = array<i32>} : memref<48xi32, #tpu.memory_space<vmem>>, vector<16xi32>,
    %swap3A_90 = vector.shape_cast %swap3A_89 : vector<16xi32> to vector<16xi32>
    %swap3A_91 = vector.shape_cast %add3A_87 : vector<16xi32> to vector<16xi32>
    tpu.vector_store %arg7[%swap3A_88], %swap3A_91 {strides = array<i32>} : memref<48xi32, #tpu.memory_space<vmem>>, vector<16xi32>,
    %add3A_92 = arith.constant 32 : i32
    %add3A_93 = arith.addi %add3A_75, %add3A_92 : i32
    %add3A_94 = vector.broadcast %add3A_93 : i32 to vector<16xi32>
    %add3A_95 = arith.addi %add3A_94, %iota3A : vector<16xi32>
    %swap3A_96 = arith.constant 32 : index
    %swap3A_97 = tpu.vector_load %arg7[%swap3A_96] {strides = array<i32>} : memref<48xi32, #tpu.memory_space<vmem>>, vector<16xi32>,
    %swap3A_98 = vector.shape_cast %swap3A_97 : vector<16xi32> to vector<16xi32>
    %swap3A_99 = vector.shape_cast %add3A_95 : vector<16xi32> to vector<16xi32>
    tpu.vector_store %arg7[%swap3A_96], %swap3A_99 {strides = array<i32>} : memref<48xi32, #tpu.memory_space<vmem>>, vector<16xi32>,
    %dma_start3A_100 = arith.constant 0 : i32
    %dma_start3A_101 = arith.constant 0 : i32
    %dma_start3A_102 = tpu.memref_slice %arg2[%dma_start3A_100, %dma_start3A_101] : memref<8200x1024xf32, #tpu.memory_space<hbm>> -> memref<8200x1024xf32, #tpu.memory_space<hbm>>
    tpu.enqueue_indirect_dma source(%dma_start3A_102 : memref<8200x1024xf32, #tpu.memory_space<hbm>>) target(%arg5 : memref<48x1024xf32, #tpu.memory_space<vmem>>) offsets(%arg7 : memref<48xi32, #tpu.memory_space<vmem>>) semaphore(%arg9 : memref<!tpu.dma_semaphore, #tpu.memory_space<semaphore_mem>>)
    %dma_wait3A_103 = arith.constant 0 : i32
    %dma_wait3A_104 = arith.constant 0 : i32
    %dma_wait3A_105 = tpu.memref_slice %arg2[%dma_wait3A_103, %dma_wait3A_104] : memref<8200x1024xf32, #tpu.memory_space<hbm>> -> memref<8200x1024xf32, #tpu.memory_space<hbm>>
    tpu.wait_indirect_dma semaphore(%arg9 : memref<!tpu.dma_semaphore, #tpu.memory_space<semaphore_mem>>) src(%dma_wait3A_105 : memref<8200x1024xf32, #tpu.memory_space<hbm>>) dst(%arg5 : memref<48x1024xf32, #tpu.memory_space<vmem>>)
    %add3A_106 = arith.constant 64 : i32
    %add3A_107 = arith.addi %mul3A_2, %add3A_106 : i32
    %dma_start3A_108 = arith.constant 0 : i32
    %dma_start3A_109 = arith.constant 0 : i32
    %dma_start3A_110 = tpu.memref_slice %arg3[%dma_start3A_108, %add3A_107, %dma_start3A_109] : memref<4x8192x1024xf32, #tpu.memory_space<hbm>> -> memref<1x48x1024xf32, #tpu.memory_space<hbm>>
    %dma_start3A_111 = tpu.memref_squeeze %dma_start3A_110 : memref<1x48x1024xf32, #tpu.memory_space<hbm>> -> memref<48x1024xf32, #tpu.memory_space<hbm>>
    %dma_start3A_112 = arith.constant 0 : i32
    %dma_start3A_113 = tpu.memref_slice %arg3[%dma_start3A_108, %add3A_107, %dma_start3A_112] : memref<4x8192x1024xf32, #tpu.memory_space<hbm>> -> memref<1x48x1024xf32, #tpu.memory_space<hbm>>
    %dma_start3A_114 = tpu.memref_squeeze %dma_start3A_113 : memref<1x48x1024xf32, #tpu.memory_space<hbm>> -> memref<48x1024xf32, #tpu.memory_space<hbm>>
    tpu.enqueue_dma source(%arg5 : memref<48x1024xf32, #tpu.memory_space<vmem>>) target(%dma_start3A_114 : memref<48x1024xf32, #tpu.memory_space<hbm>>) target_semaphore(%arg10 : memref<!tpu.dma_semaphore, #tpu.memory_space<semaphore_mem>>)
    %dma_start3A_115 = arith.constant 1 : i32
    %dma_start3A_116 = arith.constant 0 : i32
    %dma_start3A_117 = tpu.memref_slice %arg3[%dma_start3A_115, %add3A_107, %dma_start3A_116] : memref<4x8192x1024xf32, #tpu.memory_space<hbm>> -> memref<1x48x1024xf32, #tpu.memory_space<hbm>>
    %dma_start3A_118 = tpu.memref_squeeze %dma_start3A_117 : memref<1x48x1024xf32, #tpu.memory_space<hbm>> -> memref<48x1024xf32, #tpu.memory_space<hbm>>
    %dma_start3A_119 = arith.constant 0 : i32
    %dma_start3A_120 = tpu.memref_slice %arg3[%dma_start3A_115, %add3A_107, %dma_start3A_119] : memref<4x8192x1024xf32, #tpu.memory_space<hbm>> -> memref<1x48x1024xf32, #tpu.memory_space<hbm>>
    %dma_start3A_121 = tpu.memref_squeeze %dma_start3A_120 : memref<1x48x1024xf32, #tpu.memory_space<hbm>> -> memref<48x1024xf32, #tpu.memory_space<hbm>>
    tpu.enqueue_dma source(%arg5 : memref<48x1024xf32, #tpu.memory_space<vmem>>) target(%dma_start3A_121 : memref<48x1024xf32, #tpu.memory_space<hbm>>) target_semaphore(%arg10 : memref<!tpu.dma_semaphore, #tpu.memory_space<semaphore_mem>>)
    %dma_start3A_122 = arith.constant 2 : i32
    %dma_start3A_123 = arith.constant 0 : i32
    %dma_start3A_124 = tpu.memref_slice %arg3[%dma_start3A_122, %add3A_107, %dma_start3A_123] : memref<4x8192x1024xf32, #tpu.memory_space<hbm>> -> memref<1x48x1024xf32, #tpu.memory_space<hbm>>
    %dma_start3A_125 = tpu.memref_squeeze %dma_start3A_124 : memref<1x48x1024xf32, #tpu.memory_space<hbm>> -> memref<48x1024xf32, #tpu.memory_space<hbm>>
    %dma_start3A_126 = arith.constant 0 : i32
    %dma_start3A_127 = tpu.memref_slice %arg3[%dma_start3A_122, %add3A_107, %dma_start3A_126] : memref<4x8192x1024xf32, #tpu.memory_space<hbm>> -> memref<1x48x1024xf32, #tpu.memory_space<hbm>>
    %dma_start3A_128 = tpu.memref_squeeze %dma_start3A_127 : memref<1x48x1024xf32, #tpu.memory_space<hbm>> -> memref<48x1024xf32, #tpu.memory_space<hbm>>
    tpu.enqueue_dma source(%arg5 : memref<48x1024xf32, #tpu.memory_space<vmem>>) target(%dma_start3A_128 : memref<48x1024xf32, #tpu.memory_space<hbm>>) target_semaphore(%arg10 : memref<!tpu.dma_semaphore, #tpu.memory_space<semaphore_mem>>)
    %dma_start3A_129 = arith.constant 3 : i32
    %dma_start3A_130 = arith.constant 0 : i32
    %dma_start3A_131 = tpu.memref_slice %arg3[%dma_start3A_129, %add3A_107, %dma_start3A_130] : memref<4x8192x1024xf32, #tpu.memory_space<hbm>> -> memref<1x48x1024xf32, #tpu.memory_space<hbm>>
    %dma_start3A_132 = tpu.memref_squeeze %dma_start3A_131 : memref<1x48x1024xf32, #tpu.memory_space<hbm>> -> memref<48x1024xf32, #tpu.memory_space<hbm>>
    %dma_start3A_133 = arith.constant 0 : i32
    %dma_start3A_134 = tpu.memref_slice %arg3[%dma_start3A_129, %add3A_107, %dma_start3A_133] : memref<4x8192x1024xf32, #tpu.memory_space<hbm>> -> memref<1x48x1024xf32, #tpu.memory_space<hbm>>
    %dma_start3A_135 = tpu.memref_squeeze %dma_start3A_134 : memref<1x48x1024xf32, #tpu.memory_space<hbm>> -> memref<48x1024xf32, #tpu.memory_space<hbm>>
    tpu.enqueue_dma source(%arg5 : memref<48x1024xf32, #tpu.memory_space<vmem>>) target(%dma_start3A_135 : memref<48x1024xf32, #tpu.memory_space<hbm>>) target_semaphore(%arg10 : memref<!tpu.dma_semaphore, #tpu.memory_space<semaphore_mem>>)
    %dma_wait3A_136 = arith.constant 0 : i32
    %dma_wait3A_137 = arith.constant 0 : i32
    %dma_wait3A_138 = tpu.memref_slice %arg3[%dma_wait3A_136, %add3A_43, %dma_wait3A_137] : memref<4x8192x1024xf32, #tpu.memory_space<hbm>> -> memref<1x64x1024xf32, #tpu.memory_space<hbm>>
    %dma_wait3A_139 = tpu.memref_squeeze %dma_wait3A_138 : memref<1x64x1024xf32, #tpu.memory_space<hbm>> -> memref<64x1024xf32, #tpu.memory_space<hbm>>
    %dma_wait3A_140 = arith.constant 0 : i32
    %dma_wait3A_141 = tpu.memref_slice %arg3[%dma_wait3A_136, %add3A_43, %dma_wait3A_140] : memref<4x8192x1024xf32, #tpu.memory_space<hbm>> -> memref<1x64x1024xf32, #tpu.memory_space<hbm>>
    %dma_wait3A_142 = tpu.memref_squeeze %dma_wait3A_141 : memref<1x64x1024xf32, #tpu.memory_space<hbm>> -> memref<64x1024xf32, #tpu.memory_space<hbm>>
    tpu.wait_dma2 semaphore(%arg10 : memref<!tpu.dma_semaphore, #tpu.memory_space<semaphore_mem>>) src(%arg4 : memref<64x1024xf32, #tpu.memory_space<vmem>>) dst(%dma_wait3A_142 : memref<64x1024xf32, #tpu.memory_space<hbm>>)
    %dma_wait3A_143 = arith.constant 1 : i32
    %dma_wait3A_144 = arith.constant 0 : i32
    %dma_wait3A_145 = tpu.memref_slice %arg3[%dma_wait3A_143, %add3A_43, %dma_wait3A_144] : memref<4x8192x1024xf32, #tpu.memory_space<hbm>> -> memref<1x64x1024xf32, #tpu.memory_space<hbm>>
    %dma_wait3A_146 = tpu.memref_squeeze %dma_wait3A_145 : memref<1x64x1024xf32, #tpu.memory_space<hbm>> -> memref<64x1024xf32, #tpu.memory_space<hbm>>
    %dma_wait3A_147 = arith.constant 0 : i32
    %dma_wait3A_148 = tpu.memref_slice %arg3[%dma_wait3A_143, %add3A_43, %dma_wait3A_147] : memref<4x8192x1024xf32, #tpu.memory_space<hbm>> -> memref<1x64x1024xf32, #tpu.memory_space<hbm>>
    %dma_wait3A_149 = tpu.memref_squeeze %dma_wait3A_148 : memref<1x64x1024xf32, #tpu.memory_space<hbm>> -> memref<64x1024xf32, #tpu.memory_space<hbm>>
    tpu.wait_dma2 semaphore(%arg10 : memref<!tpu.dma_semaphore, #tpu.memory_space<semaphore_mem>>) src(%arg4 : memref<64x1024xf32, #tpu.memory_space<vmem>>) dst(%dma_wait3A_149 : memref<64x1024xf32, #tpu.memory_space<hbm>>)
    %dma_wait3A_150 = arith.constant 2 : i32
    %dma_wait3A_151 = arith.constant 0 : i32
    %dma_wait3A_152 = tpu.memref_slice %arg3[%dma_wait3A_150, %add3A_43, %dma_wait3A_151] : memref<4x8192x1024xf32, #tpu.memory_space<hbm>> -> memref<1x64x1024xf32, #tpu.memory_space<hbm>>
    %dma_wait3A_153 = tpu.memref_squeeze %dma_wait3A_152 : memref<1x64x1024xf32, #tpu.memory_space<hbm>> -> memref<64x1024xf32, #tpu.memory_space<hbm>>
    %dma_wait3A_154 = arith.constant 0 : i32
    %dma_wait3A_155 = tpu.memref_slice %arg3[%dma_wait3A_150, %add3A_43, %dma_wait3A_154] : memref<4x8192x1024xf32, #tpu.memory_space<hbm>> -> memref<1x64x1024xf32, #tpu.memory_space<hbm>>
    %dma_wait3A_156 = tpu.memref_squeeze %dma_wait3A_155 : memref<1x64x1024xf32, #tpu.memory_space<hbm>> -> memref<64x1024xf32, #tpu.memory_space<hbm>>
    tpu.wait_dma2 semaphore(%arg10 : memref<!tpu.dma_semaphore, #tpu.memory_space<semaphore_mem>>) src(%arg4 : memref<64x1024xf32, #tpu.memory_space<vmem>>) dst(%dma_wait3A_156 : memref<64x1024xf32, #tpu.memory_space<hbm>>)
    %dma_wait3A_157 = arith.constant 3 : i32
    %dma_wait3A_158 = arith.constant 0 : i32
    %dma_wait3A_159 = tpu.memref_slice %arg3[%dma_wait3A_157, %add3A_43, %dma_wait3A_158] : memref<4x8192x1024xf32, #tpu.memory_space<hbm>> -> memref<1x64x1024xf32, #tpu.memory_space<hbm>>
    %dma_wait3A_160 = tpu.memref_squeeze %dma_wait3A_159 : memref<1x64x1024xf32, #tpu.memory_space<hbm>> -> memref<64x1024xf32, #tpu.memory_space<hbm>>
    %dma_wait3A_161 = arith.constant 0 : i32
    %dma_wait3A_162 = tpu.memref_slice %arg3[%dma_wait3A_157, %add3A_43, %dma_wait3A_161] : memref<4x8192x1024xf32, #tpu.memory_space<hbm>> -> memref<1x64x1024xf32, #tpu.memory_space<hbm>>
    %dma_wait3A_163 = tpu.memref_squeeze %dma_wait3A_162 : memref<1x64x1024xf32, #tpu.memory_space<hbm>> -> memref<64x1024xf32, #tpu.memory_space<hbm>>
    tpu.wait_dma2 semaphore(%arg10 : memref<!tpu.dma_semaphore, #tpu.memory_space<semaphore_mem>>) src(%arg4 : memref<64x1024xf32, #tpu.memory_space<vmem>>) dst(%dma_wait3A_163 : memref<64x1024xf32, #tpu.memory_space<hbm>>)
    %add3A_164 = arith.constant 112 : i32
    %add3A_165 = arith.addi %mul3A_2, %add3A_164 : i32
    %add3A_166 = arith.constant 1 : i32
    %add3A_167 = arith.addi %add3A_165, %add3A_166 : i32
    %add3A_168 = arith.constant 0 : i32
    %add3A_169 = arith.addi %add3A_167, %add3A_168 : i32
    %add3A_170 = vector.broadcast %add3A_169 : i32 to vector<16xi32>
    %add3A_171 = arith.addi %add3A_170, %iota3A : vector<16xi32>
    %swap3A_172 = arith.constant 0 : index
    %swap3A_173 = tpu.vector_load %arg6[%swap3A_172] {strides = array<i32>} : memref<64xi32, #tpu.memory_space<vmem>>, vector<16xi32>,
    %swap3A_174 = vector.shape_cast %swap3A_173 : vector<16xi32> to vector<16xi32>
    %swap3A_175 = vector.shape_cast %add3A_171 : vector<16xi32> to vector<16xi32>
    tpu.vector_store %arg6[%swap3A_172], %swap3A_175 {strides = array<i32>} : memref<64xi32, #tpu.memory_space<vmem>>, vector<16xi32>,
    %add3A_176 = arith.constant 16 : i32
    %add3A_177 = arith.addi %add3A_167, %add3A_176 : i32
    %add3A_178 = vector.broadcast %add3A_177 : i32 to vector<16xi32>
    %add3A_179 = arith.addi %add3A_178, %iota3A : vector<16xi32>
    %swap3A_180 = arith.constant 16 : index
    %swap3A_181 = tpu.vector_load %arg6[%swap3A_180] {strides = array<i32>} : memref<64xi32, #tpu.memory_space<vmem>>, vector<16xi32>,
    %swap3A_182 = vector.shape_cast %swap3A_181 : vector<16xi32> to vector<16xi32>
    %swap3A_183 = vector.shape_cast %add3A_179 : vector<16xi32> to vector<16xi32>
    tpu.vector_store %arg6[%swap3A_180], %swap3A_183 {strides = array<i32>} : memref<64xi32, #tpu.memory_space<vmem>>, vector<16xi32>,
    %add3A_184 = arith.constant 32 : i32
    %add3A_185 = arith.addi %add3A_167, %add3A_184 : i32
    %add3A_186 = vector.broadcast %add3A_185 : i32 to vector<16xi32>
    %add3A_187 = arith.addi %add3A_186, %iota3A : vector<16xi32>
    %swap3A_188 = arith.constant 32 : index
    %swap3A_189 = tpu.vector_load %arg6[%swap3A_188] {strides = array<i32>} : memref<64xi32, #tpu.memory_space<vmem>>, vector<16xi32>,
    %swap3A_190 = vector.shape_cast %swap3A_189 : vector<16xi32> to vector<16xi32>
    %swap3A_191 = vector.shape_cast %add3A_187 : vector<16xi32> to vector<16xi32>
    tpu.vector_store %arg6[%swap3A_188], %swap3A_191 {strides = array<i32>} : memref<64xi32, #tpu.memory_space<vmem>>, vector<16xi32>,
    %add3A_192 = arith.constant 48 : i32
    %add3A_193 = arith.addi %add3A_167, %add3A_192 : i32
    %add3A_194 = vector.broadcast %add3A_193 : i32 to vector<16xi32>
    %add3A_195 = arith.addi %add3A_194, %iota3A : vector<16xi32>
    %swap3A_196 = arith.constant 48 : index
    %swap3A_197 = tpu.vector_load %arg6[%swap3A_196] {strides = array<i32>} : memref<64xi32, #tpu.memory_space<vmem>>, vector<16xi32>,
    %swap3A_198 = vector.shape_cast %swap3A_197 : vector<16xi32> to vector<16xi32>
    %swap3A_199 = vector.shape_cast %add3A_195 : vector<16xi32> to vector<16xi32>
    tpu.vector_store %arg6[%swap3A_196], %swap3A_199 {strides = array<i32>} : memref<64xi32, #tpu.memory_space<vmem>>, vector<16xi32>,
    %dma_start3A_200 = arith.constant 0 : i32
    %dma_start3A_201 = arith.constant 0 : i32
    %dma_start3A_202 = tpu.memref_slice %arg2[%dma_start3A_200, %dma_start3A_201] : memref<8200x1024xf32, #tpu.memory_space<hbm>> -> memref<8200x1024xf32, #tpu.memory_space<hbm>>
    tpu.enqueue_indirect_dma source(%dma_start3A_202 : memref<8200x1024xf32, #tpu.memory_space<hbm>>) target(%arg4 : memref<64x1024xf32, #tpu.memory_space<vmem>>) offsets(%arg6 : memref<64xi32, #tpu.memory_space<vmem>>) semaphore(%arg9 : memref<!tpu.dma_semaphore, #tpu.memory_space<semaphore_mem>>)
    %dma_wait3A_203 = arith.constant 0 : i32
    %dma_wait3A_204 = arith.constant 0 : i32
    %dma_wait3A_205 = tpu.memref_slice %arg2[%dma_wait3A_203, %dma_wait3A_204] : memref<8200x1024xf32, #tpu.memory_space<hbm>> -> memref<8200x1024xf32, #tpu.memory_space<hbm>>
    tpu.wait_indirect_dma semaphore(%arg9 : memref<!tpu.dma_semaphore, #tpu.memory_space<semaphore_mem>>) src(%dma_wait3A_205 : memref<8200x1024xf32, #tpu.memory_space<hbm>>) dst(%arg4 : memref<64x1024xf32, #tpu.memory_space<vmem>>)
    %add3A_206 = arith.constant 112 : i32
    %add3A_207 = arith.addi %mul3A_2, %add3A_206 : i32
    %dma_start3A_208 = arith.constant 0 : i32
    %dma_start3A_209 = arith.constant 0 : i32
    %dma_start3A_210 = tpu.memref_slice %arg3[%dma_start3A_208, %add3A_207, %dma_start3A_209] : memref<4x8192x1024xf32, #tpu.memory_space<hbm>> -> memref<1x64x1024xf32, #tpu.memory_space<hbm>>
    %dma_start3A_211 = tpu.memref_squeeze %dma_start3A_210 : memref<1x64x1024xf32, #tpu.memory_space<hbm>> -> memref<64x1024xf32, #tpu.memory_space<hbm>>
    %dma_start3A_212 = arith.constant 0 : i32
    %dma_start3A_213 = tpu.memref_slice %arg3[%dma_start3A_208, %add3A_207, %dma_start3A_212] : memref<4x8192x1024xf32, #tpu.memory_space<hbm>> -> memref<1x64x1024xf32, #tpu.memory_space<hbm>>
    %dma_start3A_214 = tpu.memref_squeeze %dma_start3A_213 : memref<1x64x1024xf32, #tpu.memory_space<hbm>> -> memref<64x1024xf32, #tpu.memory_space<hbm>>
    tpu.enqueue_dma source(%arg4 : memref<64x1024xf32, #tpu.memory_space<vmem>>) target(%dma_start3A_214 : memref<64x1024xf32, #tpu.memory_space<hbm>>) target_semaphore(%arg10 : memref<!tpu.dma_semaphore, #tpu.memory_space<semaphore_mem>>)
    %dma_start3A_215 = arith.constant 1 : i32
    %dma_start3A_216 = arith.constant 0 : i32
    %dma_start3A_217 = tpu.memref_slice %arg3[%dma_start3A_215, %add3A_207, %dma_start3A_216] : memref<4x8192x1024xf32, #tpu.memory_space<hbm>> -> memref<1x64x1024xf32, #tpu.memory_space<hbm>>
    %dma_start3A_218 = tpu.memref_squeeze %dma_start3A_217 : memref<1x64x1024xf32, #tpu.memory_space<hbm>> -> memref<64x1024xf32, #tpu.memory_space<hbm>>
    %dma_start3A_219 = arith.constant 0 : i32
    %dma_start3A_220 = tpu.memref_slice %arg3[%dma_start3A_215, %add3A_207, %dma_start3A_219] : memref<4x8192x1024xf32, #tpu.memory_space<hbm>> -> memref<1x64x1024xf32, #tpu.memory_space<hbm>>
    %dma_start3A_221 = tpu.memref_squeeze %dma_start3A_220 : memref<1x64x1024xf32, #tpu.memory_space<hbm>> -> memref<64x1024xf32, #tpu.memory_space<hbm>>
    tpu.enqueue_dma source(%arg4 : memref<64x1024xf32, #tpu.memory_space<vmem>>) target(%dma_start3A_221 : memref<64x1024xf32, #tpu.memory_space<hbm>>) target_semaphore(%arg10 : memref<!tpu.dma_semaphore, #tpu.memory_space<semaphore_mem>>)
    %dma_start3A_222 = arith.constant 2 : i32
    %dma_start3A_223 = arith.constant 0 : i32
    %dma_start3A_224 = tpu.memref_slice %arg3[%dma_start3A_222, %add3A_207, %dma_start3A_223] : memref<4x8192x1024xf32, #tpu.memory_space<hbm>> -> memref<1x64x1024xf32, #tpu.memory_space<hbm>>
    %dma_start3A_225 = tpu.memref_squeeze %dma_start3A_224 : memref<1x64x1024xf32, #tpu.memory_space<hbm>> -> memref<64x1024xf32, #tpu.memory_space<hbm>>
    %dma_start3A_226 = arith.constant 0 : i32
    %dma_start3A_227 = tpu.memref_slice %arg3[%dma_start3A_222, %add3A_207, %dma_start3A_226] : memref<4x8192x1024xf32, #tpu.memory_space<hbm>> -> memref<1x64x1024xf32, #tpu.memory_space<hbm>>
    %dma_start3A_228 = tpu.memref_squeeze %dma_start3A_227 : memref<1x64x1024xf32, #tpu.memory_space<hbm>> -> memref<64x1024xf32, #tpu.memory_space<hbm>>
    tpu.enqueue_dma source(%arg4 : memref<64x1024xf32, #tpu.memory_space<vmem>>) target(%dma_start3A_228 : memref<64x1024xf32, #tpu.memory_space<hbm>>) target_semaphore(%arg10 : memref<!tpu.dma_semaphore, #tpu.memory_space<semaphore_mem>>)
    %dma_start3A_229 = arith.constant 3 : i32
    %dma_start3A_230 = arith.constant 0 : i32
    %dma_start3A_231 = tpu.memref_slice %arg3[%dma_start3A_229, %add3A_207, %dma_start3A_230] : memref<4x8192x1024xf32, #tpu.memory_space<hbm>> -> memref<1x64x1024xf32, #tpu.memory_space<hbm>>
    %dma_start3A_232 = tpu.memref_squeeze %dma_start3A_231 : memref<1x64x1024xf32, #tpu.memory_space<hbm>> -> memref<64x1024xf32, #tpu.memory_space<hbm>>
    %dma_start3A_233 = arith.constant 0 : i32
    %dma_start3A_234 = tpu.memref_slice %arg3[%dma_start3A_229, %add3A_207, %dma_start3A_233] : memref<4x8192x1024xf32, #tpu.memory_space<hbm>> -> memref<1x64x1024xf32, #tpu.memory_space<hbm>>
    %dma_start3A_235 = tpu.memref_squeeze %dma_start3A_234 : memref<1x64x1024xf32, #tpu.memory_space<hbm>> -> memref<64x1024xf32, #tpu.memory_space<hbm>>
    tpu.enqueue_dma source(%arg4 : memref<64x1024xf32, #tpu.memory_space<vmem>>) target(%dma_start3A_235 : memref<64x1024xf32, #tpu.memory_space<hbm>>) target_semaphore(%arg10 : memref<!tpu.dma_semaphore, #tpu.memory_space<semaphore_mem>>)
    %dma_wait3A_236 = arith.constant 0 : i32
    %dma_wait3A_237 = arith.constant 0 : i32
    %dma_wait3A_238 = tpu.memref_slice %arg3[%dma_wait3A_236, %add3A_107, %dma_wait3A_237] : memref<4x8192x1024xf32, #tpu.memory_space<hbm>> -> memref<1x48x1024xf32, #tpu.memory_space<hbm>>
    %dma_wait3A_239 = tpu.memref_squeeze %dma_wait3A_238 : memref<1x48x1024xf32, #tpu.memory_space<hbm>> -> memref<48x1024xf32, #tpu.memory_space<hbm>>
    %dma_wait3A_240 = arith.constant 0 : i32
    %dma_wait3A_241 = tpu.memref_slice %arg3[%dma_wait3A_236, %add3A_107, %dma_wait3A_240] : memref<4x8192x1024xf32, #tpu.memory_space<hbm>> -> memref<1x48x1024xf32, #tpu.memory_space<hbm>>
    %dma_wait3A_242 = tpu.memref_squeeze %dma_wait3A_241 : memref<1x48x1024xf32, #tpu.memory_space<hbm>> -> memref<48x1024xf32, #tpu.memory_space<hbm>>
    tpu.wait_dma2 semaphore(%arg10 : memref<!tpu.dma_semaphore, #tpu.memory_space<semaphore_mem>>) src(%arg5 : memref<48x1024xf32, #tpu.memory_space<vmem>>) dst(%dma_wait3A_242 : memref<48x1024xf32, #tpu.memory_space<hbm>>)
    %dma_wait3A_243 = arith.constant 1 : i32
    %dma_wait3A_244 = arith.constant 0 : i32
    %dma_wait3A_245 = tpu.memref_slice %arg3[%dma_wait3A_243, %add3A_107, %dma_wait3A_244] : memref<4x8192x1024xf32, #tpu.memory_space<hbm>> -> memref<1x48x1024xf32, #tpu.memory_space<hbm>>
    %dma_wait3A_246 = tpu.memref_squeeze %dma_wait3A_245 : memref<1x48x1024xf32, #tpu.memory_space<hbm>> -> memref<48x1024xf32, #tpu.memory_space<hbm>>
    %dma_wait3A_247 = arith.constant 0 : i32
    %dma_wait3A_248 = tpu.memref_slice %arg3[%dma_wait3A_243, %add3A_107, %dma_wait3A_247] : memref<4x8192x1024xf32, #tpu.memory_space<hbm>> -> memref<1x48x1024xf32, #tpu.memory_space<hbm>>
    %dma_wait3A_249 = tpu.memref_squeeze %dma_wait3A_248 : memref<1x48x1024xf32, #tpu.memory_space<hbm>> -> memref<48x1024xf32, #tpu.memory_space<hbm>>
    tpu.wait_dma2 semaphore(%arg10 : memref<!tpu.dma_semaphore, #tpu.memory_space<semaphore_mem>>) src(%arg5 : memref<48x1024xf32, #tpu.memory_space<vmem>>) dst(%dma_wait3A_249 : memref<48x1024xf32, #tpu.memory_space<hbm>>)
    %dma_wait3A_250 = arith.constant 2 : i32
    %dma_wait3A_251 = arith.constant 0 : i32
    %dma_wait3A_252 = tpu.memref_slice %arg3[%dma_wait3A_250, %add3A_107, %dma_wait3A_251] : memref<4x8192x1024xf32, #tpu.memory_space<hbm>> -> memref<1x48x1024xf32, #tpu.memory_space<hbm>>
    %dma_wait3A_253 = tpu.memref_squeeze %dma_wait3A_252 : memref<1x48x1024xf32, #tpu.memory_space<hbm>> -> memref<48x1024xf32, #tpu.memory_space<hbm>>
    %dma_wait3A_254 = arith.constant 0 : i32
    %dma_wait3A_255 = tpu.memref_slice %arg3[%dma_wait3A_250, %add3A_107, %dma_wait3A_254] : memref<4x8192x1024xf32, #tpu.memory_space<hbm>> -> memref<1x48x1024xf32, #tpu.memory_space<hbm>>
    %dma_wait3A_256 = tpu.memref_squeeze %dma_wait3A_255 : memref<1x48x1024xf32, #tpu.memory_space<hbm>> -> memref<48x1024xf32, #tpu.memory_space<hbm>>
    tpu.wait_dma2 semaphore(%arg10 : memref<!tpu.dma_semaphore, #tpu.memory_space<semaphore_mem>>) src(%arg5 : memref<48x1024xf32, #tpu.memory_space<vmem>>) dst(%dma_wait3A_256 : memref<48x1024xf32, #tpu.memory_space<hbm>>)
    %dma_wait3A_257 = arith.constant 3 : i32
    %dma_wait3A_258 = arith.constant 0 : i32
    %dma_wait3A_259 = tpu.memref_slice %arg3[%dma_wait3A_257, %add3A_107, %dma_wait3A_258] : memref<4x8192x1024xf32, #tpu.memory_space<hbm>> -> memref<1x48x1024xf32, #tpu.memory_space<hbm>>
    %dma_wait3A_260 = tpu.memref_squeeze %dma_wait3A_259 : memref<1x48x1024xf32, #tpu.memory_space<hbm>> -> memref<48x1024xf32, #tpu.memory_space<hbm>>
    %dma_wait3A_261 = arith.constant 0 : i32
    %dma_wait3A_262 = tpu.memref_slice %arg3[%dma_wait3A_257, %add3A_107, %dma_wait3A_261] : memref<4x8192x1024xf32, #tpu.memory_space<hbm>> -> memref<1x48x1024xf32, #tpu.memory_space<hbm>>
    %dma_wait3A_263 = tpu.memref_squeeze %dma_wait3A_262 : memref<1x48x1024xf32, #tpu.memory_space<hbm>> -> memref<48x1024xf32, #tpu.memory_space<hbm>>
    tpu.wait_dma2 semaphore(%arg10 : memref<!tpu.dma_semaphore, #tpu.memory_space<semaphore_mem>>) src(%arg5 : memref<48x1024xf32, #tpu.memory_space<vmem>>) dst(%dma_wait3A_263 : memref<48x1024xf32, #tpu.memory_space<hbm>>)
    %add3A_264 = arith.constant 176 : i32
    %add3A_265 = arith.addi %mul3A_2, %add3A_264 : i32
    %add3A_266 = arith.constant 1 : i32
    %add3A_267 = arith.addi %add3A_265, %add3A_266 : i32
    %add3A_268 = arith.constant 0 : i32
    %add3A_269 = arith.addi %add3A_267, %add3A_268 : i32
    %add3A_270 = vector.broadcast %add3A_269 : i32 to vector<16xi32>
    %add3A_271 = arith.addi %add3A_270, %iota3A : vector<16xi32>
    %swap3A_272 = arith.constant 0 : index
    %swap3A_273 = tpu.vector_load %arg7[%swap3A_272] {strides = array<i32>} : memref<48xi32, #tpu.memory_space<vmem>>, vector<16xi32>,
    %swap3A_274 = vector.shape_cast %swap3A_273 : vector<16xi32> to vector<16xi32>
    %swap3A_275 = vector.shape_cast %add3A_271 : vector<16xi32> to vector<16xi32>
    tpu.vector_store %arg7[%swap3A_272], %swap3A_275 {strides = array<i32>} : memref<48xi32, #tpu.memory_space<vmem>>, vector<16xi32>,
    %add3A_276 = arith.constant 16 : i32
    %add3A_277 = arith.addi %add3A_267, %add3A_276 : i32
    %add3A_278 = vector.broadcast %add3A_277 : i32 to vector<16xi32>
    %add3A_279 = arith.addi %add3A_278, %iota3A : vector<16xi32>
    %swap3A_280 = arith.constant 16 : index
    %swap3A_281 = tpu.vector_load %arg7[%swap3A_280] {strides = array<i32>} : memref<48xi32, #tpu.memory_space<vmem>>, vector<16xi32>,
    %swap3A_282 = vector.shape_cast %swap3A_281 : vector<16xi32> to vector<16xi32>
    %swap3A_283 = vector.shape_cast %add3A_279 : vector<16xi32> to vector<16xi32>
    tpu.vector_store %arg7[%swap3A_280], %swap3A_283 {strides = array<i32>} : memref<48xi32, #tpu.memory_space<vmem>>, vector<16xi32>,
    %add3A_284 = arith.constant 32 : i32
    %add3A_285 = arith.addi %add3A_267, %add3A_284 : i32
    %add3A_286 = vector.broadcast %add3A_285 : i32 to vector<16xi32>
    %add3A_287 = arith.addi %add3A_286, %iota3A : vector<16xi32>
    %swap3A_288 = arith.constant 32 : index
    %swap3A_289 = tpu.vector_load %arg7[%swap3A_288] {strides = array<i32>} : memref<48xi32, #tpu.memory_space<vmem>>, vector<16xi32>,
    %swap3A_290 = vector.shape_cast %swap3A_289 : vector<16xi32> to vector<16xi32>
    %swap3A_291 = vector.shape_cast %add3A_287 : vector<16xi32> to vector<16xi32>
    tpu.vector_store %arg7[%swap3A_288], %swap3A_291 {strides = array<i32>} : memref<48xi32, #tpu.memory_space<vmem>>, vector<16xi32>,
    %dma_start3A_292 = arith.constant 0 : i32
    %dma_start3A_293 = arith.constant 0 : i32
    %dma_start3A_294 = tpu.memref_slice %arg2[%dma_start3A_292, %dma_start3A_293] : memref<8200x1024xf32, #tpu.memory_space<hbm>> -> memref<8200x1024xf32, #tpu.memory_space<hbm>>
    tpu.enqueue_indirect_dma source(%dma_start3A_294 : memref<8200x1024xf32, #tpu.memory_space<hbm>>) target(%arg5 : memref<48x1024xf32, #tpu.memory_space<vmem>>) offsets(%arg7 : memref<48xi32, #tpu.memory_space<vmem>>) semaphore(%arg9 : memref<!tpu.dma_semaphore, #tpu.memory_space<semaphore_mem>>)
    %dma_wait3A_295 = arith.constant 0 : i32
    %dma_wait3A_296 = arith.constant 0 : i32
    %dma_wait3A_297 = tpu.memref_slice %arg2[%dma_wait3A_295, %dma_wait3A_296] : memref<8200x1024xf32, #tpu.memory_space<hbm>> -> memref<8200x1024xf32, #tpu.memory_space<hbm>>
    tpu.wait_indirect_dma semaphore(%arg9 : memref<!tpu.dma_semaphore, #tpu.memory_space<semaphore_mem>>) src(%dma_wait3A_297 : memref<8200x1024xf32, #tpu.memory_space<hbm>>) dst(%arg5 : memref<48x1024xf32, #tpu.memory_space<vmem>>)
    %add3A_298 = arith.constant 176 : i32
    %add3A_299 = arith.addi %mul3A_2, %add3A_298 : i32
    %dma_start3A_300 = arith.constant 0 : i32
    %dma_start3A_301 = arith.constant 0 : i32
    %dma_start3A_302 = tpu.memref_slice %arg3[%dma_start3A_300, %add3A_299, %dma_start3A_301] : memref<4x8192x1024xf32, #tpu.memory_space<hbm>> -> memref<1x48x1024xf32, #tpu.memory_space<hbm>>
    %dma_start3A_303 = tpu.memref_squeeze %dma_start3A_302 : memref<1x48x1024xf32, #tpu.memory_space<hbm>> -> memref<48x1024xf32, #tpu.memory_space<hbm>>
    %dma_start3A_304 = arith.constant 0 : i32
    %dma_start3A_305 = tpu.memref_slice %arg3[%dma_start3A_300, %add3A_299, %dma_start3A_304] : memref<4x8192x1024xf32, #tpu.memory_space<hbm>> -> memref<1x48x1024xf32, #tpu.memory_space<hbm>>
    %dma_start3A_306 = tpu.memref_squeeze %dma_start3A_305 : memref<1x48x1024xf32, #tpu.memory_space<hbm>> -> memref<48x1024xf32, #tpu.memory_space<hbm>>
    tpu.enqueue_dma source(%arg5 : memref<48x1024xf32, #tpu.memory_space<vmem>>) target(%dma_start3A_306 : memref<48x1024xf32, #tpu.memory_space<hbm>>) target_semaphore(%arg10 : memref<!tpu.dma_semaphore, #tpu.memory_space<semaphore_mem>>)
    %dma_start3A_307 = arith.constant 1 : i32
    %dma_start3A_308 = arith.constant 0 : i32
    %dma_start3A_309 = tpu.memref_slice %arg3[%dma_start3A_307, %add3A_299, %dma_start3A_308] : memref<4x8192x1024xf32, #tpu.memory_space<hbm>> -> memref<1x48x1024xf32, #tpu.memory_space<hbm>>
    %dma_start3A_310 = tpu.memref_squeeze %dma_start3A_309 : memref<1x48x1024xf32, #tpu.memory_space<hbm>> -> memref<48x1024xf32, #tpu.memory_space<hbm>>
    %dma_start3A_311 = arith.constant 0 : i32
    %dma_start3A_312 = tpu.memref_slice %arg3[%dma_start3A_307, %add3A_299, %dma_start3A_311] : memref<4x8192x1024xf32, #tpu.memory_space<hbm>> -> memref<1x48x1024xf32, #tpu.memory_space<hbm>>
    %dma_start3A_313 = tpu.memref_squeeze %dma_start3A_312 : memref<1x48x1024xf32, #tpu.memory_space<hbm>> -> memref<48x1024xf32, #tpu.memory_space<hbm>>
    tpu.enqueue_dma source(%arg5 : memref<48x1024xf32, #tpu.memory_space<vmem>>) target(%dma_start3A_313 : memref<48x1024xf32, #tpu.memory_space<hbm>>) target_semaphore(%arg10 : memref<!tpu.dma_semaphore, #tpu.memory_space<semaphore_mem>>)
    %dma_start3A_314 = arith.constant 2 : i32
    %dma_start3A_315 = arith.constant 0 : i32
    %dma_start3A_316 = tpu.memref_slice %arg3[%dma_start3A_314, %add3A_299, %dma_start3A_315] : memref<4x8192x1024xf32, #tpu.memory_space<hbm>> -> memref<1x48x1024xf32, #tpu.memory_space<hbm>>
    %dma_start3A_317 = tpu.memref_squeeze %dma_start3A_316 : memref<1x48x1024xf32, #tpu.memory_space<hbm>> -> memref<48x1024xf32, #tpu.memory_space<hbm>>
    %dma_start3A_318 = arith.constant 0 : i32
    %dma_start3A_319 = tpu.memref_slice %arg3[%dma_start3A_314, %add3A_299, %dma_start3A_318] : memref<4x8192x1024xf32, #tpu.memory_space<hbm>> -> memref<1x48x1024xf32, #tpu.memory_space<hbm>>
    %dma_start3A_320 = tpu.memref_squeeze %dma_start3A_319 : memref<1x48x1024xf32, #tpu.memory_space<hbm>> -> memref<48x1024xf32, #tpu.memory_space<hbm>>
    tpu.enqueue_dma source(%arg5 : memref<48x1024xf32, #tpu.memory_space<vmem>>) target(%dma_start3A_320 : memref<48x1024xf32, #tpu.memory_space<hbm>>) target_semaphore(%arg10 : memref<!tpu.dma_semaphore, #tpu.memory_space<semaphore_mem>>)
    %dma_start3A_321 = arith.constant 3 : i32
    %dma_start3A_322 = arith.constant 0 : i32
    %dma_start3A_323 = tpu.memref_slice %arg3[%dma_start3A_321, %add3A_299, %dma_start3A_322] : memref<4x8192x1024xf32, #tpu.memory_space<hbm>> -> memref<1x48x1024xf32, #tpu.memory_space<hbm>>
    %dma_start3A_324 = tpu.memref_squeeze %dma_start3A_323 : memref<1x48x1024xf32, #tpu.memory_space<hbm>> -> memref<48x1024xf32, #tpu.memory_space<hbm>>
    %dma_start3A_325 = arith.constant 0 : i32
    %dma_start3A_326 = tpu.memref_slice %arg3[%dma_start3A_321, %add3A_299, %dma_start3A_325] : memref<4x8192x1024xf32, #tpu.memory_space<hbm>> -> memref<1x48x1024xf32, #tpu.memory_space<hbm>>
    %dma_start3A_327 = tpu.memref_squeeze %dma_start3A_326 : memref<1x48x1024xf32, #tpu.memory_space<hbm>> -> memref<48x1024xf32, #tpu.memory_space<hbm>>
    tpu.enqueue_dma source(%arg5 : memref<48x1024xf32, #tpu.memory_space<vmem>>) target(%dma_start3A_327 : memref<48x1024xf32, #tpu.memory_space<hbm>>) target_semaphore(%arg10 : memref<!tpu.dma_semaphore, #tpu.memory_space<semaphore_mem>>)
    %dma_wait3A_328 = arith.constant 0 : i32
    %dma_wait3A_329 = arith.constant 0 : i32
    %dma_wait3A_330 = tpu.memref_slice %arg3[%dma_wait3A_328, %add3A_207, %dma_wait3A_329] : memref<4x8192x1024xf32, #tpu.memory_space<hbm>> -> memref<1x64x1024xf32, #tpu.memory_space<hbm>>
    %dma_wait3A_331 = tpu.memref_squeeze %dma_wait3A_330 : memref<1x64x1024xf32, #tpu.memory_space<hbm>> -> memref<64x1024xf32, #tpu.memory_space<hbm>>
    %dma_wait3A_332 = arith.constant 0 : i32
    %dma_wait3A_333 = tpu.memref_slice %arg3[%dma_wait3A_328, %add3A_207, %dma_wait3A_332] : memref<4x8192x1024xf32, #tpu.memory_space<hbm>> -> memref<1x64x1024xf32, #tpu.memory_space<hbm>>
    %dma_wait3A_334 = tpu.memref_squeeze %dma_wait3A_333 : memref<1x64x1024xf32, #tpu.memory_space<hbm>> -> memref<64x1024xf32, #tpu.memory_space<hbm>>
    tpu.wait_dma2 semaphore(%arg10 : memref<!tpu.dma_semaphore, #tpu.memory_space<semaphore_mem>>) src(%arg4 : memref<64x1024xf32, #tpu.memory_space<vmem>>) dst(%dma_wait3A_334 : memref<64x1024xf32, #tpu.memory_space<hbm>>)
    %dma_wait3A_335 = arith.constant 1 : i32
    %dma_wait3A_336 = arith.constant 0 : i32
    %dma_wait3A_337 = tpu.memref_slice %arg3[%dma_wait3A_335, %add3A_207, %dma_wait3A_336] : memref<4x8192x1024xf32, #tpu.memory_space<hbm>> -> memref<1x64x1024xf32, #tpu.memory_space<hbm>>
    %dma_wait3A_338 = tpu.memref_squeeze %dma_wait3A_337 : memref<1x64x1024xf32, #tpu.memory_space<hbm>> -> memref<64x1024xf32, #tpu.memory_space<hbm>>
    %dma_wait3A_339 = arith.constant 0 : i32
    %dma_wait3A_340 = tpu.memref_slice %arg3[%dma_wait3A_335, %add3A_207, %dma_wait3A_339] : memref<4x8192x1024xf32, #tpu.memory_space<hbm>> -> memref<1x64x1024xf32, #tpu.memory_space<hbm>>
    %dma_wait3A_341 = tpu.memref_squeeze %dma_wait3A_340 : memref<1x64x1024xf32, #tpu.memory_space<hbm>> -> memref<64x1024xf32, #tpu.memory_space<hbm>>
    tpu.wait_dma2 semaphore(%arg10 : memref<!tpu.dma_semaphore, #tpu.memory_space<semaphore_mem>>) src(%arg4 : memref<64x1024xf32, #tpu.memory_space<vmem>>) dst(%dma_wait3A_341 : memref<64x1024xf32, #tpu.memory_space<hbm>>)
    %dma_wait3A_342 = arith.constant 2 : i32
    %dma_wait3A_343 = arith.constant 0 : i32
    %dma_wait3A_344 = tpu.memref_slice %arg3[%dma_wait3A_342, %add3A_207, %dma_wait3A_343] : memref<4x8192x1024xf32, #tpu.memory_space<hbm>> -> memref<1x64x1024xf32, #tpu.memory_space<hbm>>
    %dma_wait3A_345 = tpu.memref_squeeze %dma_wait3A_344 : memref<1x64x1024xf32, #tpu.memory_space<hbm>> -> memref<64x1024xf32, #tpu.memory_space<hbm>>
    %dma_wait3A_346 = arith.constant 0 : i32
    %dma_wait3A_347 = tpu.memref_slice %arg3[%dma_wait3A_342, %add3A_207, %dma_wait3A_346] : memref<4x8192x1024xf32, #tpu.memory_space<hbm>> -> memref<1x64x1024xf32, #tpu.memory_space<hbm>>
    %dma_wait3A_348 = tpu.memref_squeeze %dma_wait3A_347 : memref<1x64x1024xf32, #tpu.memory_space<hbm>> -> memref<64x1024xf32, #tpu.memory_space<hbm>>
    tpu.wait_dma2 semaphore(%arg10 : memref<!tpu.dma_semaphore, #tpu.memory_space<semaphore_mem>>) src(%arg4 : memref<64x1024xf32, #tpu.memory_space<vmem>>) dst(%dma_wait3A_348 : memref<64x1024xf32, #tpu.memory_space<hbm>>)
    %dma_wait3A_349 = arith.constant 3 : i32
    %dma_wait3A_350 = arith.constant 0 : i32
    %dma_wait3A_351 = tpu.memref_slice %arg3[%dma_wait3A_349, %add3A_207, %dma_wait3A_350] : memref<4x8192x1024xf32, #tpu.memory_space<hbm>> -> memref<1x64x1024xf32, #tpu.memory_space<hbm>>
    %dma_wait3A_352 = tpu.memref_squeeze %dma_wait3A_351 : memref<1x64x1024xf32, #tpu.memory_space<hbm>> -> memref<64x1024xf32, #tpu.memory_space<hbm>>
    %dma_wait3A_353 = arith.constant 0 : i32
    %dma_wait3A_354 = tpu.memref_slice %arg3[%dma_wait3A_349, %add3A_207, %dma_wait3A_353] : memref<4x8192x1024xf32, #tpu.memory_space<hbm>> -> memref<1x64x1024xf32, #tpu.memory_space<hbm>>
    %dma_wait3A_355 = tpu.memref_squeeze %dma_wait3A_354 : memref<1x64x1024xf32, #tpu.memory_space<hbm>> -> memref<64x1024xf32, #tpu.memory_space<hbm>>
    tpu.wait_dma2 semaphore(%arg10 : memref<!tpu.dma_semaphore, #tpu.memory_space<semaphore_mem>>) src(%arg4 : memref<64x1024xf32, #tpu.memory_space<vmem>>) dst(%dma_wait3A_355 : memref<64x1024xf32, #tpu.memory_space<hbm>>)
    %add3A_356 = arith.constant 224 : i32
    %add3A_357 = arith.addi %mul3A_2, %add3A_356 : i32
    %add3A_358 = arith.constant 1 : i32
    %add3A_359 = arith.addi %add3A_357, %add3A_358 : i32
    %add3A_360 = arith.constant 0 : i32
    %add3A_361 = arith.addi %add3A_359, %add3A_360 : i32
    %add3A_362 = vector.broadcast %add3A_361 : i32 to vector<16xi32>
    %add3A_363 = arith.addi %add3A_362, %iota3A : vector<16xi32>
    %swap3A_364 = arith.constant 0 : index
    %swap3A_365 = tpu.vector_load %arg8[%swap3A_364] {strides = array<i32>} : memref<32xi32, #tpu.memory_space<vmem>>, vector<16xi32>,
    %swap3A_366 = vector.shape_cast %swap3A_365 : vector<16xi32> to vector<16xi32>
    %swap3A_367 = vector.shape_cast %add3A_363 : vector<16xi32> to vector<16xi32>
    tpu.vector_store %arg8[%swap3A_364], %swap3A_367 {strides = array<i32>} : memref<32xi32, #tpu.memory_space<vmem>>, vector<16xi32>,
    %add3A_368 = arith.constant 16 : i32
    %add3A_369 = arith.addi %add3A_359, %add3A_368 : i32
    %add3A_370 = vector.broadcast %add3A_369 : i32 to vector<16xi32>
    %add3A_371 = arith.addi %add3A_370, %iota3A : vector<16xi32>
    %swap3A_372 = arith.constant 16 : index
    %swap3A_373 = tpu.vector_load %arg8[%swap3A_372] {strides = array<i32>} : memref<32xi32, #tpu.memory_space<vmem>>, vector<16xi32>,
    %swap3A_374 = vector.shape_cast %swap3A_373 : vector<16xi32> to vector<16xi32>
    %swap3A_375 = vector.shape_cast %add3A_371 : vector<16xi32> to vector<16xi32>
    tpu.vector_store %arg8[%swap3A_372], %swap3A_375 {strides = array<i32>} : memref<32xi32, #tpu.memory_space<vmem>>, vector<16xi32>,
    %dma_start3A_376 = arith.constant 0 : i32
    %dma_start3A_377 = arith.constant 0 : i32
    %dma_start3A_378 = tpu.memref_slice %arg4[%dma_start3A_376, %dma_start3A_377] : memref<64x1024xf32, #tpu.memory_space<vmem>> -> memref<32x1024xf32, #tpu.memory_space<vmem>>
    %dma_start3A_379 = arith.constant 0 : i32
    %dma_start3A_380 = arith.constant 0 : i32
    %dma_start3A_381 = tpu.memref_slice %arg2[%dma_start3A_379, %dma_start3A_380] : memref<8200x1024xf32, #tpu.memory_space<hbm>> -> memref<8200x1024xf32, #tpu.memory_space<hbm>>
    tpu.enqueue_indirect_dma source(%dma_start3A_381 : memref<8200x1024xf32, #tpu.memory_space<hbm>>) target(%dma_start3A_378 : memref<32x1024xf32, #tpu.memory_space<vmem>>) offsets(%arg8 : memref<32xi32, #tpu.memory_space<vmem>>) semaphore(%arg9 : memref<!tpu.dma_semaphore, #tpu.memory_space<semaphore_mem>>)
    %dma_wait3A_382 = arith.constant 0 : i32
    %dma_wait3A_383 = arith.constant 0 : i32
    %dma_wait3A_384 = tpu.memref_slice %arg4[%dma_wait3A_382, %dma_wait3A_383] : memref<64x1024xf32, #tpu.memory_space<vmem>> -> memref<32x1024xf32, #tpu.memory_space<vmem>>
    %dma_wait3A_385 = arith.constant 0 : i32
    %dma_wait3A_386 = arith.constant 0 : i32
    %dma_wait3A_387 = tpu.memref_slice %arg2[%dma_wait3A_385, %dma_wait3A_386] : memref<8200x1024xf32, #tpu.memory_space<hbm>> -> memref<8200x1024xf32, #tpu.memory_space<hbm>>
    tpu.wait_indirect_dma semaphore(%arg9 : memref<!tpu.dma_semaphore, #tpu.memory_space<semaphore_mem>>) src(%dma_wait3A_387 : memref<8200x1024xf32, #tpu.memory_space<hbm>>) dst(%dma_wait3A_384 : memref<32x1024xf32, #tpu.memory_space<vmem>>)
    %add3A_388 = arith.constant 224 : i32
    %add3A_389 = arith.addi %mul3A_2, %add3A_388 : i32
    %dma_start3A_390 = arith.constant 0 : i32
    %dma_start3A_391 = arith.constant 0 : i32
    %dma_start3A_392 = arith.constant 0 : i32
    %dma_start3A_393 = tpu.memref_slice %arg4[%dma_start3A_391, %dma_start3A_392] : memref<64x1024xf32, #tpu.memory_space<vmem>> -> memref<32x1024xf32, #tpu.memory_space<vmem>>
    %dma_start3A_394 = arith.constant 0 : i32
    %dma_start3A_395 = tpu.memref_slice %arg3[%dma_start3A_390, %add3A_389, %dma_start3A_394] : memref<4x8192x1024xf32, #tpu.memory_space<hbm>> -> memref<1x32x1024xf32, #tpu.memory_space<hbm>>
    %dma_start3A_396 = tpu.memref_squeeze %dma_start3A_395 : memref<1x32x1024xf32, #tpu.memory_space<hbm>> -> memref<32x1024xf32, #tpu.memory_space<hbm>>
    %dma_start3A_397 = arith.constant 0 : i32
    %dma_start3A_398 = tpu.memref_slice %arg3[%dma_start3A_390, %add3A_389, %dma_start3A_397] : memref<4x8192x1024xf32, #tpu.memory_space<hbm>> -> memref<1x32x1024xf32, #tpu.memory_space<hbm>>
    %dma_start3A_399 = tpu.memref_squeeze %dma_start3A_398 : memref<1x32x1024xf32, #tpu.memory_space<hbm>> -> memref<32x1024xf32, #tpu.memory_space<hbm>>
    %dma_start3A_400 = arith.constant 0 : i32
    %dma_start3A_401 = arith.constant 0 : i32
    %dma_start3A_402 = tpu.memref_slice %arg4[%dma_start3A_400, %dma_start3A_401] : memref<64x1024xf32, #tpu.memory_space<vmem>> -> memref<32x1024xf32, #tpu.memory_space<vmem>>
    tpu.enqueue_dma source(%dma_start3A_402 : memref<32x1024xf32, #tpu.memory_space<vmem>>) target(%dma_start3A_399 : memref<32x1024xf32, #tpu.memory_space<hbm>>) target_semaphore(%arg10 : memref<!tpu.dma_semaphore, #tpu.memory_space<semaphore_mem>>)
    %dma_start3A_403 = arith.constant 1 : i32
    %dma_start3A_404 = arith.constant 0 : i32
    %dma_start3A_405 = arith.constant 0 : i32
    %dma_start3A_406 = tpu.memref_slice %arg4[%dma_start3A_404, %dma_start3A_405] : memref<64x1024xf32, #tpu.memory_space<vmem>> -> memref<32x1024xf32, #tpu.memory_space<vmem>>
    %dma_start3A_407 = arith.constant 0 : i32
    %dma_start3A_408 = tpu.memref_slice %arg3[%dma_start3A_403, %add3A_389, %dma_start3A_407] : memref<4x8192x1024xf32, #tpu.memory_space<hbm>> -> memref<1x32x1024xf32, #tpu.memory_space<hbm>>
    %dma_start3A_409 = tpu.memref_squeeze %dma_start3A_408 : memref<1x32x1024xf32, #tpu.memory_space<hbm>> -> memref<32x1024xf32, #tpu.memory_space<hbm>>
    %dma_start3A_410 = arith.constant 0 : i32
    %dma_start3A_411 = tpu.memref_slice %arg3[%dma_start3A_403, %add3A_389, %dma_start3A_410] : memref<4x8192x1024xf32, #tpu.memory_space<hbm>> -> memref<1x32x1024xf32, #tpu.memory_space<hbm>>
    %dma_start3A_412 = tpu.memref_squeeze %dma_start3A_411 : memref<1x32x1024xf32, #tpu.memory_space<hbm>> -> memref<32x1024xf32, #tpu.memory_space<hbm>>
    %dma_start3A_413 = arith.constant 0 : i32
    %dma_start3A_414 = arith.constant 0 : i32
    %dma_start3A_415 = tpu.memref_slice %arg4[%dma_start3A_413, %dma_start3A_414] : memref<64x1024xf32, #tpu.memory_space<vmem>> -> memref<32x1024xf32, #tpu.memory_space<vmem>>
    tpu.enqueue_dma source(%dma_start3A_415 : memref<32x1024xf32, #tpu.memory_space<vmem>>) target(%dma_start3A_412 : memref<32x1024xf32, #tpu.memory_space<hbm>>) target_semaphore(%arg10 : memref<!tpu.dma_semaphore, #tpu.memory_space<semaphore_mem>>)
    %dma_start3A_416 = arith.constant 2 : i32
    %dma_start3A_417 = arith.constant 0 : i32
    %dma_start3A_418 = arith.constant 0 : i32
    %dma_start3A_419 = tpu.memref_slice %arg4[%dma_start3A_417, %dma_start3A_418] : memref<64x1024xf32, #tpu.memory_space<vmem>> -> memref<32x1024xf32, #tpu.memory_space<vmem>>
    %dma_start3A_420 = arith.constant 0 : i32
    %dma_start3A_421 = tpu.memref_slice %arg3[%dma_start3A_416, %add3A_389, %dma_start3A_420] : memref<4x8192x1024xf32, #tpu.memory_space<hbm>> -> memref<1x32x1024xf32, #tpu.memory_space<hbm>>
    %dma_start3A_422 = tpu.memref_squeeze %dma_start3A_421 : memref<1x32x1024xf32, #tpu.memory_space<hbm>> -> memref<32x1024xf32, #tpu.memory_space<hbm>>
    %dma_start3A_423 = arith.constant 0 : i32
    %dma_start3A_424 = tpu.memref_slice %arg3[%dma_start3A_416, %add3A_389, %dma_start3A_423] : memref<4x8192x1024xf32, #tpu.memory_space<hbm>> -> memref<1x32x1024xf32, #tpu.memory_space<hbm>>
    %dma_start3A_425 = tpu.memref_squeeze %dma_start3A_424 : memref<1x32x1024xf32, #tpu.memory_space<hbm>> -> memref<32x1024xf32, #tpu.memory_space<hbm>>
    %dma_start3A_426 = arith.constant 0 : i32
    %dma_start3A_427 = arith.constant 0 : i32
    %dma_start3A_428 = tpu.memref_slice %arg4[%dma_start3A_426, %dma_start3A_427] : memref<64x1024xf32, #tpu.memory_space<vmem>> -> memref<32x1024xf32, #tpu.memory_space<vmem>>
    tpu.enqueue_dma source(%dma_start3A_428 : memref<32x1024xf32, #tpu.memory_space<vmem>>) target(%dma_start3A_425 : memref<32x1024xf32, #tpu.memory_space<hbm>>) target_semaphore(%arg10 : memref<!tpu.dma_semaphore, #tpu.memory_space<semaphore_mem>>)
    %dma_start3A_429 = arith.constant 3 : i32
    %dma_start3A_430 = arith.constant 0 : i32
    %dma_start3A_431 = arith.constant 0 : i32
    %dma_start3A_432 = tpu.memref_slice %arg4[%dma_start3A_430, %dma_start3A_431] : memref<64x1024xf32, #tpu.memory_space<vmem>> -> memref<32x1024xf32, #tpu.memory_space<vmem>>
    %dma_start3A_433 = arith.constant 0 : i32
    %dma_start3A_434 = tpu.memref_slice %arg3[%dma_start3A_429, %add3A_389, %dma_start3A_433] : memref<4x8192x1024xf32, #tpu.memory_space<hbm>> -> memref<1x32x1024xf32, #tpu.memory_space<hbm>>
    %dma_start3A_435 = tpu.memref_squeeze %dma_start3A_434 : memref<1x32x1024xf32, #tpu.memory_space<hbm>> -> memref<32x1024xf32, #tpu.memory_space<hbm>>
    %dma_start3A_436 = arith.constant 0 : i32
    %dma_start3A_437 = tpu.memref_slice %arg3[%dma_start3A_429, %add3A_389, %dma_start3A_436] : memref<4x8192x1024xf32, #tpu.memory_space<hbm>> -> memref<1x32x1024xf32, #tpu.memory_space<hbm>>
    %dma_start3A_438 = tpu.memref_squeeze %dma_start3A_437 : memref<1x32x1024xf32, #tpu.memory_space<hbm>> -> memref<32x1024xf32, #tpu.memory_space<hbm>>
    %dma_start3A_439 = arith.constant 0 : i32
    %dma_start3A_440 = arith.constant 0 : i32
    %dma_start3A_441 = tpu.memref_slice %arg4[%dma_start3A_439, %dma_start3A_440] : memref<64x1024xf32, #tpu.memory_space<vmem>> -> memref<32x1024xf32, #tpu.memory_space<vmem>>
    tpu.enqueue_dma source(%dma_start3A_441 : memref<32x1024xf32, #tpu.memory_space<vmem>>) target(%dma_start3A_438 : memref<32x1024xf32, #tpu.memory_space<hbm>>) target_semaphore(%arg10 : memref<!tpu.dma_semaphore, #tpu.memory_space<semaphore_mem>>)
    %dma_wait3A_442 = arith.constant 0 : i32
    %dma_wait3A_443 = arith.constant 0 : i32
    %dma_wait3A_444 = tpu.memref_slice %arg3[%dma_wait3A_442, %add3A_299, %dma_wait3A_443] : memref<4x8192x1024xf32, #tpu.memory_space<hbm>> -> memref<1x48x1024xf32, #tpu.memory_space<hbm>>
    %dma_wait3A_445 = tpu.memref_squeeze %dma_wait3A_444 : memref<1x48x1024xf32, #tpu.memory_space<hbm>> -> memref<48x1024xf32, #tpu.memory_space<hbm>>
    %dma_wait3A_446 = arith.constant 0 : i32
    %dma_wait3A_447 = tpu.memref_slice %arg3[%dma_wait3A_442, %add3A_299, %dma_wait3A_446] : memref<4x8192x1024xf32, #tpu.memory_space<hbm>> -> memref<1x48x1024xf32, #tpu.memory_space<hbm>>
    %dma_wait3A_448 = tpu.memref_squeeze %dma_wait3A_447 : memref<1x48x1024xf32, #tpu.memory_space<hbm>> -> memref<48x1024xf32, #tpu.memory_space<hbm>>
    tpu.wait_dma2 semaphore(%arg10 : memref<!tpu.dma_semaphore, #tpu.memory_space<semaphore_mem>>) src(%arg5 : memref<48x1024xf32, #tpu.memory_space<vmem>>) dst(%dma_wait3A_448 : memref<48x1024xf32, #tpu.memory_space<hbm>>)
    %dma_wait3A_449 = arith.constant 1 : i32
    %dma_wait3A_450 = arith.constant 0 : i32
    %dma_wait3A_451 = tpu.memref_slice %arg3[%dma_wait3A_449, %add3A_299, %dma_wait3A_450] : memref<4x8192x1024xf32, #tpu.memory_space<hbm>> -> memref<1x48x1024xf32, #tpu.memory_space<hbm>>
    %dma_wait3A_452 = tpu.memref_squeeze %dma_wait3A_451 : memref<1x48x1024xf32, #tpu.memory_space<hbm>> -> memref<48x1024xf32, #tpu.memory_space<hbm>>
    %dma_wait3A_453 = arith.constant 0 : i32
    %dma_wait3A_454 = tpu.memref_slice %arg3[%dma_wait3A_449, %add3A_299, %dma_wait3A_453] : memref<4x8192x1024xf32, #tpu.memory_space<hbm>> -> memref<1x48x1024xf32, #tpu.memory_space<hbm>>
    %dma_wait3A_455 = tpu.memref_squeeze %dma_wait3A_454 : memref<1x48x1024xf32, #tpu.memory_space<hbm>> -> memref<48x1024xf32, #tpu.memory_space<hbm>>
    tpu.wait_dma2 semaphore(%arg10 : memref<!tpu.dma_semaphore, #tpu.memory_space<semaphore_mem>>) src(%arg5 : memref<48x1024xf32, #tpu.memory_space<vmem>>) dst(%dma_wait3A_455 : memref<48x1024xf32, #tpu.memory_space<hbm>>)
    %dma_wait3A_456 = arith.constant 2 : i32
    %dma_wait3A_457 = arith.constant 0 : i32
    %dma_wait3A_458 = tpu.memref_slice %arg3[%dma_wait3A_456, %add3A_299, %dma_wait3A_457] : memref<4x8192x1024xf32, #tpu.memory_space<hbm>> -> memref<1x48x1024xf32, #tpu.memory_space<hbm>>
    %dma_wait3A_459 = tpu.memref_squeeze %dma_wait3A_458 : memref<1x48x1024xf32, #tpu.memory_space<hbm>> -> memref<48x1024xf32, #tpu.memory_space<hbm>>
    %dma_wait3A_460 = arith.constant 0 : i32
    %dma_wait3A_461 = tpu.memref_slice %arg3[%dma_wait3A_456, %add3A_299, %dma_wait3A_460] : memref<4x8192x1024xf32, #tpu.memory_space<hbm>> -> memref<1x48x1024xf32, #tpu.memory_space<hbm>>
    %dma_wait3A_462 = tpu.memref_squeeze %dma_wait3A_461 : memref<1x48x1024xf32, #tpu.memory_space<hbm>> -> memref<48x1024xf32, #tpu.memory_space<hbm>>
    tpu.wait_dma2 semaphore(%arg10 : memref<!tpu.dma_semaphore, #tpu.memory_space<semaphore_mem>>) src(%arg5 : memref<48x1024xf32, #tpu.memory_space<vmem>>) dst(%dma_wait3A_462 : memref<48x1024xf32, #tpu.memory_space<hbm>>)
    %dma_wait3A_463 = arith.constant 3 : i32
    %dma_wait3A_464 = arith.constant 0 : i32
    %dma_wait3A_465 = tpu.memref_slice %arg3[%dma_wait3A_463, %add3A_299, %dma_wait3A_464] : memref<4x8192x1024xf32, #tpu.memory_space<hbm>> -> memref<1x48x1024xf32, #tpu.memory_space<hbm>>
    %dma_wait3A_466 = tpu.memref_squeeze %dma_wait3A_465 : memref<1x48x1024xf32, #tpu.memory_space<hbm>> -> memref<48x1024xf32, #tpu.memory_space<hbm>>
    %dma_wait3A_467 = arith.constant 0 : i32
    %dma_wait3A_468 = tpu.memref_slice %arg3[%dma_wait3A_463, %add3A_299, %dma_wait3A_467] : memref<4x8192x1024xf32, #tpu.memory_space<hbm>> -> memref<1x48x1024xf32, #tpu.memory_space<hbm>>
    %dma_wait3A_469 = tpu.memref_squeeze %dma_wait3A_468 : memref<1x48x1024xf32, #tpu.memory_space<hbm>> -> memref<48x1024xf32, #tpu.memory_space<hbm>>
    tpu.wait_dma2 semaphore(%arg10 : memref<!tpu.dma_semaphore, #tpu.memory_space<semaphore_mem>>) src(%arg5 : memref<48x1024xf32, #tpu.memory_space<vmem>>) dst(%dma_wait3A_469 : memref<48x1024xf32, #tpu.memory_space<hbm>>)
    %dma_wait3A_470 = arith.constant 0 : i32
    %dma_wait3A_471 = arith.constant 0 : i32
    %dma_wait3A_472 = arith.constant 0 : i32
    %dma_wait3A_473 = tpu.memref_slice %arg4[%dma_wait3A_471, %dma_wait3A_472] : memref<64x1024xf32, #tpu.memory_space<vmem>> -> memref<32x1024xf32, #tpu.memory_space<vmem>>
    %dma_wait3A_474 = arith.constant 0 : i32
    %dma_wait3A_475 = tpu.memref_slice %arg3[%dma_wait3A_470, %add3A_389, %dma_wait3A_474] : memref<4x8192x1024xf32, #tpu.memory_space<hbm>> -> memref<1x32x1024xf32, #tpu.memory_space<hbm>>
    %dma_wait3A_476 = tpu.memref_squeeze %dma_wait3A_475 : memref<1x32x1024xf32, #tpu.memory_space<hbm>> -> memref<32x1024xf32, #tpu.memory_space<hbm>>
    %dma_wait3A_477 = arith.constant 0 : i32
    %dma_wait3A_478 = tpu.memref_slice %arg3[%dma_wait3A_470, %add3A_389, %dma_wait3A_477] : memref<4x8192x1024xf32, #tpu.memory_space<hbm>> -> memref<1x32x1024xf32, #tpu.memory_space<hbm>>
    %dma_wait3A_479 = tpu.memref_squeeze %dma_wait3A_478 : memref<1x32x1024xf32, #tpu.memory_space<hbm>> -> memref<32x1024xf32, #tpu.memory_space<hbm>>
    %dma_wait3A_480 = arith.constant 0 : i32
    %dma_wait3A_481 = arith.constant 0 : i32
    %dma_wait3A_482 = tpu.memref_slice %arg4[%dma_wait3A_480, %dma_wait3A_481] : memref<64x1024xf32, #tpu.memory_space<vmem>> -> memref<32x1024xf32, #tpu.memory_space<vmem>>
    tpu.wait_dma2 semaphore(%arg10 : memref<!tpu.dma_semaphore, #tpu.memory_space<semaphore_mem>>) src(%dma_wait3A_482 : memref<32x1024xf32, #tpu.memory_space<vmem>>) dst(%dma_wait3A_479 : memref<32x1024xf32, #tpu.memory_space<hbm>>)
    %dma_wait3A_483 = arith.constant 1 : i32
    %dma_wait3A_484 = arith.constant 0 : i32
    %dma_wait3A_485 = arith.constant 0 : i32
    %dma_wait3A_486 = tpu.memref_slice %arg4[%dma_wait3A_484, %dma_wait3A_485] : memref<64x1024xf32, #tpu.memory_space<vmem>> -> memref<32x1024xf32, #tpu.memory_space<vmem>>
    %dma_wait3A_487 = arith.constant 0 : i32
    %dma_wait3A_488 = tpu.memref_slice %arg3[%dma_wait3A_483, %add3A_389, %dma_wait3A_487] : memref<4x8192x1024xf32, #tpu.memory_space<hbm>> -> memref<1x32x1024xf32, #tpu.memory_space<hbm>>
    %dma_wait3A_489 = tpu.memref_squeeze %dma_wait3A_488 : memref<1x32x1024xf32, #tpu.memory_space<hbm>> -> memref<32x1024xf32, #tpu.memory_space<hbm>>
    %dma_wait3A_490 = arith.constant 0 : i32
    %dma_wait3A_491 = tpu.memref_slice %arg3[%dma_wait3A_483, %add3A_389, %dma_wait3A_490] : memref<4x8192x1024xf32, #tpu.memory_space<hbm>> -> memref<1x32x1024xf32, #tpu.memory_space<hbm>>
    %dma_wait3A_492 = tpu.memref_squeeze %dma_wait3A_491 : memref<1x32x1024xf32, #tpu.memory_space<hbm>> -> memref<32x1024xf32, #tpu.memory_space<hbm>>
    %dma_wait3A_493 = arith.constant 0 : i32
    %dma_wait3A_494 = arith.constant 0 : i32
    %dma_wait3A_495 = tpu.memref_slice %arg4[%dma_wait3A_493, %dma_wait3A_494] : memref<64x1024xf32, #tpu.memory_space<vmem>> -> memref<32x1024xf32, #tpu.memory_space<vmem>>
    tpu.wait_dma2 semaphore(%arg10 : memref<!tpu.dma_semaphore, #tpu.memory_space<semaphore_mem>>) src(%dma_wait3A_495 : memref<32x1024xf32, #tpu.memory_space<vmem>>) dst(%dma_wait3A_492 : memref<32x1024xf32, #tpu.memory_space<hbm>>)
    %dma_wait3A_496 = arith.constant 2 : i32
    %dma_wait3A_497 = arith.constant 0 : i32
    %dma_wait3A_498 = arith.constant 0 : i32
    %dma_wait3A_499 = tpu.memref_slice %arg4[%dma_wait3A_497, %dma_wait3A_498] : memref<64x1024xf32, #tpu.memory_space<vmem>> -> memref<32x1024xf32, #tpu.memory_space<vmem>>
    %dma_wait3A_500 = arith.constant 0 : i32
    %dma_wait3A_501 = tpu.memref_slice %arg3[%dma_wait3A_496, %add3A_389, %dma_wait3A_500] : memref<4x8192x1024xf32, #tpu.memory_space<hbm>> -> memref<1x32x1024xf32, #tpu.memory_space<hbm>>
    %dma_wait3A_502 = tpu.memref_squeeze %dma_wait3A_501 : memref<1x32x1024xf32, #tpu.memory_space<hbm>> -> memref<32x1024xf32, #tpu.memory_space<hbm>>
    %dma_wait3A_503 = arith.constant 0 : i32
    %dma_wait3A_504 = tpu.memref_slice %arg3[%dma_wait3A_496, %add3A_389, %dma_wait3A_503] : memref<4x8192x1024xf32, #tpu.memory_space<hbm>> -> memref<1x32x1024xf32, #tpu.memory_space<hbm>>
    %dma_wait3A_505 = tpu.memref_squeeze %dma_wait3A_504 : memref<1x32x1024xf32, #tpu.memory_space<hbm>> -> memref<32x1024xf32, #tpu.memory_space<hbm>>
    %dma_wait3A_506 = arith.constant 0 : i32
    %dma_wait3A_507 = arith.constant 0 : i32
    %dma_wait3A_508 = tpu.memref_slice %arg4[%dma_wait3A_506, %dma_wait3A_507] : memref<64x1024xf32, #tpu.memory_space<vmem>> -> memref<32x1024xf32, #tpu.memory_space<vmem>>
    tpu.wait_dma2 semaphore(%arg10 : memref<!tpu.dma_semaphore, #tpu.memory_space<semaphore_mem>>) src(%dma_wait3A_508 : memref<32x1024xf32, #tpu.memory_space<vmem>>) dst(%dma_wait3A_505 : memref<32x1024xf32, #tpu.memory_space<hbm>>)
    %dma_wait3A_509 = arith.constant 3 : i32
    %dma_wait3A_510 = arith.constant 0 : i32
    %dma_wait3A_511 = arith.constant 0 : i32
    %dma_wait3A_512 = tpu.memref_slice %arg4[%dma_wait3A_510, %dma_wait3A_511] : memref<64x1024xf32, #tpu.memory_space<vmem>> -> memref<32x1024xf32, #tpu.memory_space<vmem>>
    %dma_wait3A_513 = arith.constant 0 : i32
    %dma_wait3A_514 = tpu.memref_slice %arg3[%dma_wait3A_509, %add3A_389, %dma_wait3A_513] : memref<4x8192x1024xf32, #tpu.memory_space<hbm>> -> memref<1x32x1024xf32, #tpu.memory_space<hbm>>
    %dma_wait3A_515 = tpu.memref_squeeze %dma_wait3A_514 : memref<1x32x1024xf32, #tpu.memory_space<hbm>> -> memref<32x1024xf32, #tpu.memory_space<hbm>>
    %dma_wait3A_516 = arith.constant 0 : i32
    %dma_wait3A_517 = tpu.memref_slice %arg3[%dma_wait3A_509, %add3A_389, %dma_wait3A_516] : memref<4x8192x1024xf32, #tpu.memory_space<hbm>> -> memref<1x32x1024xf32, #tpu.memory_space<hbm>>
    %dma_wait3A_518 = tpu.memref_squeeze %dma_wait3A_517 : memref<1x32x1024xf32, #tpu.memory_space<hbm>> -> memref<32x1024xf32, #tpu.memory_space<hbm>>
    %dma_wait3A_519 = arith.constant 0 : i32
    %dma_wait3A_520 = arith.constant 0 : i32
    %dma_wait3A_521 = tpu.memref_slice %arg4[%dma_wait3A_519, %dma_wait3A_520] : memref<64x1024xf32, #tpu.memory_space<vmem>> -> memref<32x1024xf32, #tpu.memory_space<vmem>>
    tpu.wait_dma2 semaphore(%arg10 : memref<!tpu.dma_semaphore, #tpu.memory_space<semaphore_mem>>) src(%dma_wait3A_521 : memref<32x1024xf32, #tpu.memory_space<vmem>>) dst(%dma_wait3A_518 : memref<32x1024xf32, #tpu.memory_space<hbm>>)
    return
  }
}

</mosaic_0001>

<sc_bundles>
// kernel: _broadcast_rows.3.cloned.1.call-start
scs
__scs_entry_jumppad:
0x0: {  	(pc) =	sbr.rel $0x88, $3  }
0x1: {  	(tag) =	ssettag $0x0;
	lr =	simm.s32 $0x1  }
0x2: {  	[smem:$0x3FA0] =	sst lr;
	_ =	strace $0xD0000000  }
0x3: {  	_ = 	snop  }
0x4: {  	_ = 	snop  }
0x5: {  	_ = 	snop  }
0x6: {  	_ = 	snop  }
0x7: {  	_ = 	snop  }
__scs_overlays_trampoline_lowered:
0x8: {  	[smem:$0x3FAF] =	sst s0  }
0x9: {  	[smem:$0x3FB0] =	sst s1  }
0xa: {  	[smem:$0x3FB1] =	sst s2  }
0xb: {  	[smem:$0x3FB2] =	sst s3  }
0xc: {  	[smem:$0x3FB3] =	sst s4  }
0xd: {  	[smem:$0x3FB4] =	sst s5  }
0xe: {  	[smem:$0x3FB5] =	sst s6  }
0xf: {  	[smem:$0x3FB6] =	sst s7  }
0x10: {  	[smem:$0x3FB7] =	sst s8  }
0x11: {  	[smem:$0x3FB8] =	sst s9;
	s0 =	simm.s32 @!p0 $0x0  }
0x12: {  	s1 =	sld [smem:$0x3F9E];
	s0 =	simm.s32 @p0 $0x1  }
0x13: {  	[smem:$0x3FB9] =	sst s0;
	s0 =	simm.s32 @!p1 $0x0  }
0x14: {  	s2 =	sld [smem:$0x3F9D];
	s0 =	simm.s32 @p1 $0x1  }
0x15: {  	[smem:$0x3FBA] =	sst s0;
	s0 =	simm.s32 @!p2 $0x0  }
0x16: {  	s3 =	sld [smem:$0x3FDB];
	s0 =	simm.s32 @p2 $0x1  }
0x17: {  	s4 =	simm.s32 $0x1BF5;
	[smem:$0x3FBC] =	sst s0  }
0x18: {  	s0 =	sld [smem:$0x3F9F];
	_ =	swait.ge [sflag:s4], $0x0  }
0x19: {  	s7 =	sld [smem:$0x3FA0]  }
0x1a: {  	s8 =	sadd.s32 $0xFFFFE003, lr  }
0x1b: {  	s9 =	sadd.s32 $0xFFFFFEF7, lr;
	s5 =	simm.s32 $0xFFFFFFFF;
	p2 =	slt.u32 s8, $0xFFFFF086  }
0x1c: {  	p1 =	slt.u32 s9, $0xF7A;
	s5 =	simm.s32 @!p2 $0x0  }
0x1d: {  	s5 =	simm.s32 @p1 $0x1;
	p0 =	seq.s32 s7, s2  }
0x1e: {  	s7 =	smul.u32 @!p0 $0xF7A, s2;
	p2 =	seq.s32 @!p0 s5, $0x0  }
0x1f: {  	s9 =	smul.u32 $0xF7A, s1;
	s8 =	simm.s32 @!p0 $0x1BF5;
	p2 =	por !p2, p0  }
0x20: {  	[sflag:s8] =	ssyncset.s32 @!p0 $0xFFFFF086;
	s6 =	sadd.s32 @!p0 s3, s7;
	s7 =	simm.s32 @!p0 $0x108  }
0x21: {  	s3 =	sadd.s32 s3, s9;
	s6 =	sadd.s32 @!p0 $0x88, s6;
	s7 =	simm.s32 @p2 $0x1082  }
0x22: {  	[simem:s7], [sflag:s8] =	dma.local @!p0 [hbm:s6], $0xF7A  }
0x23: {  	s9 =	sor.u32 $0xD0000000, s2;
	s6 =	simm.s32 $0x108;
	_ =	swait.ge @!p0 [sflag:s8], $0x0  }
0x24: {  	s3 =	sadd.s32 $0x88, s3;
	s6 =	simm.s32 @!p1 $0x1082;
	[sflag:s4] =	ssyncset.s32 $0xFFFFF086  }
0x25: {  	[simem:s6], [sflag:s4] =	dma.local [hbm:s3], $0xF7A  }
0x26: {  	[smem:$0x3FA0] =	sst s1;
	(tag) =	ssettag s2;
	_ =	strace s9  }
0x27: {  	s1 =	sld [smem:$0x3FB0]  }
0x28: {  	s2 =	sld [smem:$0x3FB1]  }
0x29: {  	s4 =	sld [smem:$0x3FB3]  }
0x2a: {  	p0 =	seq.s32 s5, $0x0;
	s5 =	sld [smem:$0x3FB4]  }
0x2b: {  	s6 =	sld [smem:$0x3FB5]  }
0x2c: {  	s7 =	sld [smem:$0x3FB6]  }
0x2d: {  	s3 =	simm.s32 $0x108;
	s8 =	sld [smem:$0x3FB7]  }
0x2e: {  	s3 =	simm.s32 @!p0 $0x1082;
	s9 =	sld [smem:$0x3FB8]  }
0x2f: {  	lr =	sadd.s32 s0, s3;
	s0 =	sld [smem:$0x3FAF]  }
0x30: {  	s3 =	sld [smem:$0x3FB2]  }
0x31: {  	[smem:$0x3FBB] =	sst s10  }
0x32: {  	s10 =	sld [smem:$0x3FB9];
	_ =	sdelay $0x3  }
0x33: {  	p0 =	seq.s32 s10, $0x1;
	s10 =	sld [smem:$0x3FBB];
	_ =	sdelay $0x3  }
0x34: {  	[smem:$0x3FBB] =	sst s10  }
0x35: {  	s10 =	sld [smem:$0x3FBA];
	_ =	sdelay $0x3  }
0x36: {  	p1 =	seq.s32 s10, $0x1;
	s10 =	sld [smem:$0x3FBB];
	_ =	sdelay $0x3  }
0x37: {  	[smem:$0x3FBB] =	sst s10  }
0x38: {  	s10 =	sld [smem:$0x3FBC]  }
0x39: {  	_ = 	snop;
	(pc) =	sbr.ind lr, $3  }
0x3a: {  	_ = 	snop  }
0x3b: {  	_ = 	snop  }
0x3c: {  	p2 =	seq.s32 s10, $0x1;
	s10 =	sld [smem:$0x3FBB]  }
0x3d: {  	_ =	shalt  }
0x3e: {  	_ =	shalt  }
0x3f: {  	_ =	shalt  }
0x40: {  	_ =	shalt  }
0x41: {  	_ =	shalt  }
0x42: {  	_ =	shalt  }
0x43: {  	_ =	shalt  }
0x44: {  	_ =	shalt  }
0x45: {  	_ =	shalt  }
0x46: {  	_ =	shalt  }
0x47: {  	_ =	shalt  }
0x48: {  	_ =	shalt  }
0x49: {  	_ =	shalt  }
0x4a: {  	_ =	shalt  }
0x4b: {  	_ =	shalt  }
0x4c: {  	_ =	shalt  }
0x4d: {  	_ =	shalt  }
0x4e: {  	_ =	shalt  }
0x4f: {  	_ =	shalt  }
0x50: {  	_ =	shalt  }
0x51: {  	_ =	shalt  }
0x52: {  	_ =	shalt  }
0x53: {  	_ =	shalt  }
0x54: {  	_ =	shalt  }
0x55: {  	_ =	shalt  }
0x56: {  	_ =	shalt  }
0x57: {  	_ =	shalt  }
0x58: {  	_ =	shalt  }
0x59: {  	_ =	shalt  }
0x5a: {  	_ =	shalt  }
0x5b: {  	_ =	shalt  }
0x5c: {  	_ =	shalt  }
0x5d: {  	_ =	shalt  }
0x5e: {  	_ =	shalt  }
0x5f: {  	_ =	shalt  }
0x60: {  	_ =	shalt  }
0x61: {  	_ =	shalt  }
0x62: {  	_ =	shalt  }
0x63: {  	_ =	shalt  }
0x64: {  	_ =	shalt  }
0x65: {  	_ =	shalt  }
0x66: {  	_ =	shalt  }
0x67: {  	_ =	shalt  }
0x68: {  	_ =	shalt  }
0x69: {  	_ =	shalt  }
0x6a: {  	_ =	shalt  }
0x6b: {  	_ =	shalt  }
0x6c: {  	_ =	shalt  }
0x6d: {  	_ =	shalt  }
0x6e: {  	_ =	shalt  }
0x6f: {  	_ =	shalt  }
0x70: {  	_ =	shalt  }
0x71: {  	_ =	shalt  }
0x72: {  	_ =	shalt  }
0x73: {  	_ =	shalt  }
0x74: {  	_ =	shalt  }
0x75: {  	_ =	shalt  }
0x76: {  	_ =	shalt  }
0x77: {  	_ =	shalt  }
0x78: {  	_ =	shalt  }
0x79: {  	_ =	shalt  }
0x7a: {  	_ =	shalt  }
0x7b: {  	_ =	shalt  }
0x7c: {  	_ =	shalt  }
0x7d: {  	_ =	shalt  }
0x7e: {  	_ =	shalt  }
0x7f: {  	_ =	shalt  }
0x80: {  	_ =	shalt  }
0x81: {  	_ =	shalt  }
0x82: {  	_ =	shalt  }
0x83: {  	_ =	shalt  }
0x84: {  	_ =	shalt  }
0x85: {  	_ =	shalt  }
0x86: {  	_ =	shalt  }
0x87: {  	_ =	shalt  }
.Lfunc_end0:
.L_simem_size_0:
called_computation_lowered:
.L_overlay_start_0:
0x88: {  	s2 =	sld [smem:$0x3FD9]  }
0x89: {  	s3 =	sld [smem:$0x3FFE];
	_ =	sdelay $0x1  }
0x8a: {  	s1 =	srdreg.scid  }
0x8b: {  	s0 =	sand.u32 $0x1, s1  }
0x8c: {  	s18 =	sshll.u32 s0, $0xA;
	s2 =	sadd.s32 s3, s2  }
0x8d: {  	s2 =	sadd.s32 s2, s18  }
0x8e: {  	[smem:$0x3FC7] =	sst s2  }
0x8f: {  	_ = 	snop  }
0x90: {  	s2 =	sld [smem:$0x3FC9]  }
0x91: {  	s19 =	sld [smem:$0x3FD0];
	(tm) =	ssettm $0x1  }
0x92: {  	s4 =	sld [smem:$0x3FFB];
	_ =	sdelay $0x3  }
0x93: {  	_ =	strace s4  }
0x94: {  	s4 =	sld [smem:$0x3FFC];
	_ =	sdelay $0x3  }
0x95: {  	_ =	strace s4  }
0x96: {  	s4 =	sld [smem:$0x3FFD];
	_ =	sdelay $0x3  }
0x97: {  	_ =	strace s4  }
0x98: {  	_ =	strace $0x8FFFFFFF  }
0x99: {  	s20 =	sld [smem:$0x3FDB];
	_ =	sdelay $0x1  }
0x9a: {  	s5 =	simm.s32 $_scs_section_size  }
0x9b: {  	s6 =	simm.s32 $_size__tile_overlayer_lowered;
	s7 =	simm.s32 $_tile_overlayer_lowered  }
0x9c: {  	s23 =	simm.s32 $0x1BFF;
	s22 =	sshll.u32 s7, $0x1;
	s4 =	sadd.s32 s5, s20  }
0x9d: {  	s8 =	simm.s32 $0x0;
	s21 =	sshll.u32 s6, $0x1;
	s6 =	sadd.s32 s22, s4  }
0x9e: {  	[timem:s8], [sflag:s23] =	dma.local [hbm:s6], s21  }
0x9f: {  	_ =	swait.ge [sflag:s23], s21  }
0xa0: {  	s5 =	ssub.s32 $0x0, s21;
	[sflag:s23] =	ssyncset.done $0x0  }
0xa1: {  	[sflag:s23] =	ssyncadd.s32 s5;
	_ =	sdelay $0x1  }
0xa2: {  	s24 =	simm.s32 $0x1B8B  }
0xa3: {  	_ =	swait.ge [sflag:s24], $0x1  }
0xa4: {  	[sflag:s24] =	ssyncset.done $0x0  }
0xa5: {  	s25 =	simm.s32 $0x1B8E;
	[sflag:s24] =	ssyncadd.s32 $0xFFFFFFFF  }
0xa6: {  	s26 =	simm.s32 $execute0_lowered;
	[smem:$0x3FD2] =	sst s25  }
0xa7: {  	s5 =	sshll.u32 s26, $0x1;
	_ =	strace $0x80000046;
	[dreg:$0x1] =	wrdreg $0xFFFFFFFF  }
0xa8: {  	s28 =	simm.s32 $_size_execute0_lowered;
	s4 =	sadd.s32 s4, s5;
	[dreg:$0x0] =	wrdreg $0x0  }
0xa9: {  	s5 =	sshll.u32 s28, $0x1;
	[dreg:$0x2] =	wrdreg s4  }
0xaa: {  	[dreg:$0x3] =	wrdreg s5  }
0xab: {  	[dreg:$0x4] =	wrdreg $0xC0  }
0xac: {  	_ =	task [dreg:s8], $0x5FFFF  }
0xad: {  	[dreg:$0x1] =	wrdreg $0xFFFFFFFF  }
0xae: {  	[dreg:$0x0] =	wrdreg $0x60  }
0xaf: {  	[dreg:$0x2] =	wrdreg s2  }
0xb0: {  	[dreg:$0x3] =	wrdreg s19  }
0xb1: {  	[dreg:$0x4] =	wrdreg $0x9  }
0xb2: {  	_ =	task.clear_ibuf [dreg:s8], $0x5FFFF;
	_ =	strace $0x90000046  }
0xb3: {  	s29 =	simm.s32 $0x9;
	_ =	strace $0x80000048  }
0xb4: {  	_ =	swait.ge [sflag:s29], $0x1  }
0xb5: {  	[sflag:s29] =	ssyncadd.s32 $0xFFFFFFFF  }
0xb6: {  	_ =	strace $0x90000048  }
0xb7: {  	_ =	sfence  }
0xb8: {  	s30 =	sld [smem:$0x0];
	_ =	sdelay $0x2  }
0xb9: {  	s31 =	sshll.u32 s1, $0xD;
	s1 =	sshrl.u32 s1, $0x2  }
0xba: {  	s3 =	sand.u32 $0x4000, s31;
	s1 =	sadd.s32 s1, s30  }
0xbb: {  	s0 =	sor.u32 s3, s0;
	s1 =	sshll.u32 s1, $0x11  }
0xbc: {  	s0 =	sor.u32 s1, s0  }
0xbd: {  	s0 =	sadd.s32 $0x8F2B, s0  }
0xbe: {  	[sflag:s0] =	ssyncadd.remote.s32 $0x1  }
0xbf: {  	_ =	sfence.sel $0xFFFF  }
0xc0: {  	[dreg:$0x0] =	wrdreg $0xFFFFFFFF;
	(pc) =	sbr.abs _section_cstart, $3  }
0xc1: {  	[dreg:$0x1] =	wrdreg $0xFFFFFFFF  }
0xc2: {  	_ =	task.clear_ibuf [dreg:s8], $0x2FFFF;
	_ =	strace $0x9FFFFFFF  }
0xc3: {  	(tm) =	ssettm $0x7FFFFFFF  }
tec
execute0_lowered:
.L_overlay_start_1:
0x0: {  	(tag) =	ssettag $0x1  }
0x1: {  	s0 =	srdreg.scid;
	s2 =	rddreg [dreg:$0x0]  }
0x2: {  	s3 =	stileid.u32;
	s4 =	rddreg [dreg:$0x1]  }
0x3: {  	s30 =	simm.s32 $0x8000;
	s31 =	simm.s32 $0x8800;
	s1 =	sand.u32 $0x1, s0  }
0x4: {  	s11 =	sshll.u32 s3, $0x9;
	s3 =	simm.s32 $0x0;
	s12 =	sshll.u32 s1, $0x8  }
0x5: {  	s1 =	ssub.s32 $0x2, s1;
	[smem:$0x7FF] =	sst s3;
	s0 =	sor.u32 s12, s11  }
0x6: {  	s6 =	sshrl.u32 s1, $0x1;
	_ =	strace $0x80000047;
	s5 =	sshll.u32 s0, $0x7  }
0x7: {  	s1 =	ssub.s32 s1, s6;
	s8 =	sor.u32 $0x1, s0;
	s9 =	sor.u32 $0x11, s0  }
0x8: {  	s10 =	sor.u32 $0x21, s0;
	s11 =	sor.u32 $0x31, s0;
	s4 =	sadd.s32 s4, s5  }
0x9: {  	s6 =	sadd.s32 $0x200, s2;
	s5 =	sadd.s32 $0x100000, s4;
	[dreg:$0x16] =	wrdreg s4  }
0xa: {  	s13 =	sadd.s32 $0x200000, s4;
	s14 =	sadd.s32 $0x300000, s4;
	[dreg:$0x3] =	wrdreg s5  }
0xb: {  	s15 =	sadd.s32 $0x2000, s4;
	s16 =	sadd.s32 $0x102000, s4;
	[dreg:$0x4] =	wrdreg s13  }
0xc: {  	s17 =	sadd.s32 $0x3800, s4;
	s18 =	sadd.s32 $0x103800, s4;
	[dreg:$0x6] =	wrdreg s15  }
0xd: {  	v18 =	vlaneseq.u32;
	vm0 =	vmmov $0xffff;
	s19 =	sadd.s32 $0x203800, s4;
	s20 =	sadd.s32 $0x303800, s4;
	[dreg:$0x7] =	wrdreg s16  }
0xe: {  	v14 =	vshrl.u32 v18, $0x3;
	v12 =	vor.u32 $0x8, v18;
	v0 =	vadd.s32 s8, v18;
	s21 =	sadd.s32 $0x5800, s4;
	s25 =	sadd.s32 $0x7000, s4;
	[dreg:$0xa] =	wrdreg s17  }
0xf: {  	v14 =	vmul.u32 $0x8, v14;
	v1 =	vadd.s32 s9, v18;
	s26 =	sadd.s32 $0x107000, s4;
	v4 =	vshll.u32 v0, $0x3;
	s13 =	sor.u32 $0x41, s0;
	[dreg:$0xb] =	wrdreg s18  }
0x10: {  	v2 =	vadd.s32 s10, v18;
	v5 =	vand.u32 $0x7, v0;
	s15 =	sor.u32 $0x51, s0;
	s16 =	sor.u32 $0x61, s0;
	[dreg:$0xc] =	wrdreg s19;
	v4 =	vand.u32 $0x7FFFFFC0, v4  }
0x11: {  	v3 =	vadd.s32 s11, v18;
	s17 =	sor.u32 $0x71, s0;
	[dreg:$0xd] =	wrdreg s20;
	s18 =	sor.u32 $0x81, s0;
	v15 =	vor.u32 v5, v4;
	v4 =	vand.u32 $0x7, v18  }
0x12: {  	[dreg:$0xe] =	wrdreg s21;
	s19 =	sor.u32 $0x91, s0;
	s20 =	sor.u32 $0xA1, s0;
	v5 =	vadd.s32 s13, v18;
	v6 =	vadd.s32 s15, v18;
	v7 =	vadd.s32 s16, v18  }
0x13: {  	s21 =	sor.u32 $0xB1, s0;
	[dreg:$0x12] =	wrdreg s25;
	s25 =	sor.u32 $0xD1, s0;
	v8 =	vadd.s32 s17, v18;
	v9 =	vadd.s32 s18, v18;
	v10 =	vadd.s32 s19, v18  }
0x14: {  	s24 =	sadd.s32 $0x305800, s4;
	[dreg:$0x13] =	wrdreg s26;
	s26 =	sor.u32 $0xE1, s0;
	v11 =	vadd.s32 s20, v18;
	v13 =	vadd.s32 s21, v18;
	v16 =	vadd.s32 s25, v18  }
0x15: {  	[dreg:$0x11] =	wrdreg s24;
	s24 =	sor.u32 $0xC1, s0;
	s0 =	sor.u32 $0xF1, s0;
	v17 =	vadd.s32 s26, v18;
	v19 =	vperm.xlane v15, v4;
	v20 =	vperm.xlane v15, v12  }
0x16: {  	s8 =	smax.u32 s1, $0x1;
	s7 =	sadd.s32 $0x202000, s4;
	[dreg:$0x5] =	wrdreg s14;
	v15 =	vadd.s32 s24, v18;
	v18 =	vadd.s32 s0, v18;
	v21 =	vand.u32 $0x7, v5  }
0x17: {  	s1 =	simm.s32 $0x1;
	s12 =	sadd.s32 $0x302000, s4;
	[dreg:$0x8] =	wrdreg s7;
	v22 =	vshll.u32 v5, $0x3;
	v23 =	vshll.u32 v8, $0x3;
	v24 =	vand.u32 $0x7, v8  }
0x18: {  	s9 =	simm.s32 $0xA800;
	s22 =	sadd.s32 $0x105800, s4;
	[dreg:$0x9] =	wrdreg s12;
	v25 =	vshll.u32 v17, $0x3;
	v22 =	vand.u32 $0x7FFFFFC0, v22;
	v23 =	vand.u32 $0x7FFFFFC0, v23  }
0x19: {  	s10 =	simm.s32 $0xB000;
	s23 =	sadd.s32 $0x205800, s4;
	[dreg:$0xf] =	wrdreg s22;
	v25 =	vand.u32 $0x7FFFFFC0, v25;
	v19 =	vadd.s32 v14, v19;
	v20 =	vadd.s32 v14, v20  }
0x1a: {  	s11 =	simm.s32 $0xB800;
	s28 =	sadd.s32 $0x207000, s4;
	[dreg:$0x10] =	wrdreg s23;
	v21 =	vor.u32 v21, v22;
	v22 =	vor.u32 v24, v23;
	v23 =	vshll.u32 v13, $0x3  }
0x1b: {  	s29 =	sadd.s32 $0x307000, s4;
	s5 =	sadd.s32 $0x100, s2;
	[dreg:$0x14] =	wrdreg s28;
	v24 =	vand.u32 $0x7, v13;
	v23 =	vand.u32 $0x7FFFFFC0, v23;
	v26 =	vperm.xlane v21, v12  }
0x1c: {  	s7 =	sadd.s32 $0x300, s2;
	[dreg:$0x15] =	wrdreg s29;
	s12 =	simm.s32 $0xC000;
	v27 =	vperm.xlane v22, v4;
	v23 =	vor.u32 v24, v23;
	v24 =	vand.u32 $0x7, v17  }
0x1d: {  	s14 =	simm.s32 $0xD000;
	s22 =	simm.s32 $0x11800;
	s23 =	simm.s32 $0x12000;
	v28 =	vperm.xlane v22, v12;
	v24 =	vor.u32 v24, v25;
	v25 =	vperm.xlane v21, v4  }
0x1e: {  	s26 =	simm.s32 $0x2;
	s25 =	simm.s32 $0x9800;
	s13 =	simm.s32 $0xC800;
	v29 =	vperm.xlane v23, v12;
	v22 =	vadd.s32 v14, v26;
	v30 =	vperm.xlane v24, v4  }
0x1f: {  	s15 =	simm.s32 $0xD800;
	s16 =	simm.s32 $0xE000;
	s17 =	simm.s32 $0xE800;
	v31 =	vperm.xlane v24, v12;
	v21 =	vadd.s32 v14, v25;
	v25 =	vperm.xlane v23, v4  }
0x20: {  	s18 =	simm.s32 $0xF000;
	s19 =	simm.s32 $0xF800;
	s20 =	simm.s32 $0x10800;
	v24 =	vadd.s32 v14, v28;
	v23 =	vadd.s32 v14, v27;
	v26 =	vadd.s32 v14, v29  }
0x21: {  	s21 =	simm.s32 $0x11000;
	s0 =	simm.s32 $0x10000;
	s24 =	simm.s32 $0x9000;
	v27 =	vadd.s32 v14, v30;
	v28 =	vadd.s32 v14, v31;
	v25 =	vadd.s32 v14, v25  }
.LBB2_1:
0x22: {  	[tilespmem:$0x1C000] =	vst v0  }
0x23: {  	[tilespmem:$0x1C010] =	vst v1  }
0x24: {  	[tilespmem:$0x1C020] =	vst v2  }
0x25: {  	[tilespmem:$0x1C030] =	vst v3  }
0x26: {  	[tilespmem:s3], [sflag:$0x1] =	stream.indirect_vreg.gather [hbm4b:s2+s3], $0x80, v19, vm0, $0xb8;
	[tilespmem:$0x1C180] =	vst v63  }
0x27: {  	s4 =	simm.s32 $0x800  }
0x28: {  	[tilespmem:s4], [sflag:$0x1] =	stream.indirect_vreg.gather [hbm4b:s5+s3], $0x80, v19, vm0, $0xb8;
	[tilespmem:$0x1C180] =	vst v63  }
0x29: {  	s29 =	simm.s32 $0x1000  }
0x2a: {  	[tilespmem:s29], [sflag:$0x1] =	stream.indirect_vreg.gather [hbm4b:s6+s3], $0x80, v19, vm0, $0xb8;
	[tilespmem:$0x1C180] =	vst v63  }
0x2b: {  	s28 =	simm.s32 $0x1800  }
0x2c: {  	[tilespmem:s28], [sflag:$0x1] =	stream.indirect_vreg.gather [hbm4b:s7+s3], $0x80, v19, vm0, $0xb8;
	[tilespmem:$0x1C180] =	vst v63  }
0x2d: {  	s29 =	simm.s32 $0x2000  }
0x2e: {  	[tilespmem:s29], [sflag:$0x1] =	stream.indirect_vreg.gather [hbm4b:s2+s3], $0x80, v20, vm0, $0xb8;
	[tilespmem:$0x1C180] =	vst v63  }
0x2f: {  	s28 =	simm.s32 $0x2800  }
0x30: {  	[tilespmem:s28], [sflag:$0x1] =	stream.indirect_vreg.gather [hbm4b:s5+s3], $0x80, v20, vm0, $0xb8;
	[tilespmem:$0x1C180] =	vst v63  }
0x31: {  	s29 =	simm.s32 $0x3000  }
0x32: {  	[tilespmem:s29], [sflag:$0x1] =	stream.indirect_vreg.gather [hbm4b:s6+s3], $0x80, v20, vm0, $0xb8;
	[tilespmem:$0x1C180] =	vst v63  }
0x33: {  	s28 =	simm.s32 $0x3800  }
0x34: {  	[tilespmem:s28], [sflag:$0x1] =	stream.indirect_vreg.gather [hbm4b:s7+s3], $0x80, v20, vm0, $0xb8;
	[tilespmem:$0x1C180] =	vst v63  }
0x35: {  	v29 =	vld [tilespmem:$0x1C010];
	_ =	sdelay $0x4  }
0x36: {  	v30 =	vshll.u32 v29, $0x3  }
0x37: {  	v29 =	vand.u32 $0x7, v29;
	v30 =	vand.u32 $0xFFFFFFC0, v30  }
0x38: {  	v29 =	vor.u32 v29, v30  }
0x39: {  	v30 =	vperm.xlane v29, v4;
	_ =	sdelay $0x1  }
0x3a: {  	v30 =	vadd.s32 v14, v30;
	_ =	sdelay $0x3  }
0x3b: {  	s29 =	simm.s32 $0x4000  }
0x3c: {  	[tilespmem:s29], [sflag:$0x1] =	stream.indirect_vreg.gather [hbm4b:s2+s3], $0x80, v30, vm0, $0xb8;
	[tilespmem:$0x1C180] =	vst v63  }
0x3d: {  	s28 =	simm.s32 $0x4800;
	v29 =	vperm.xlane v29, v12  }
0x3e: {  	[tilespmem:s28], [sflag:$0x1] =	stream.indirect_vreg.gather [hbm4b:s5+s3], $0x80, v30, vm0, $0xb8;
	[tilespmem:$0x1C180] =	vst v63  }
0x3f: {  	v29 =	vadd.s32 v14, v29;
	s29 =	simm.s32 $0x5000  }
0x40: {  	[tilespmem:s29], [sflag:$0x1] =	stream.indirect_vreg.gather [hbm4b:s6+s3], $0x80, v30, vm0, $0xb8;
	[tilespmem:$0x1C180] =	vst v63  }
0x41: {  	s28 =	simm.s32 $0x5800  }
0x42: {  	[tilespmem:s28], [sflag:$0x1] =	stream.indirect_vreg.gather [hbm4b:s7+s3], $0x80, v30, vm0, $0xb8;
	[tilespmem:$0x1C180] =	vst v63  }
0x43: {  	s29 =	simm.s32 $0x6000  }
0x44: {  	[tilespmem:s29], [sflag:$0x1] =	stream.indirect_vreg.gather [hbm4b:s2+s3], $0x80, v29, vm0, $0xb8;
	[tilespmem:$0x1C180] =	vst v63  }
0x45: {  	s28 =	simm.s32 $0x6800  }
0x46: {  	[tilespmem:s28], [sflag:$0x1] =	stream.indirect_vreg.gather [hbm4b:s5+s3], $0x80, v29, vm0, $0xb8;
	[tilespmem:$0x1C180] =	vst v63  }
0x47: {  	s29 =	simm.s32 $0x7000  }
0x48: {  	[tilespmem:s29], [sflag:$0x1] =	stream.indirect_vreg.gather [hbm4b:s6+s3], $0x80, v29, vm0, $0xb8;
	[tilespmem:$0x1C180] =	vst v63  }
0x49: {  	s28 =	simm.s32 $0x7800  }
0x4a: {  	[tilespmem:s28], [sflag:$0x1] =	stream.indirect_vreg.gather [hbm4b:s7+s3], $0x80, v29, vm0, $0xb8;
	[tilespmem:$0x1C180] =	vst v63  }
0x4b: {  	v29 =	vld [tilespmem:$0x1C020];
	_ =	sdelay $0x4  }
0x4c: {  	v30 =	vshll.u32 v29, $0x3  }
0x4d: {  	v29 =	vand.u32 $0x7, v29;
	v30 =	vand.u32 $0xFFFFFFC0, v30  }
0x4e: {  	v29 =	vor.u32 v29, v30  }
0x4f: {  	v30 =	vperm.xlane v29, v4;
	_ =	sdelay $0x1  }
0x50: {  	v30 =	vadd.s32 v14, v30;
	_ =	sdelay $0x4  }
0x51: {  	[tilespmem:s30], [sflag:$0x1] =	stream.indirect_vreg.gather [hbm4b:s2+s3], $0x80, v30, vm0, $0xb8;
	[tilespmem:$0x1C180] =	vst v63  }
0x52: {  	v29 =	vperm.xlane v29, v12  }
0x53: {  	[tilespmem:s31], [sflag:$0x1] =	stream.indirect_vreg.gather [hbm4b:s5+s3], $0x80, v30, vm0, $0xb8;
	[tilespmem:$0x1C180] =	vst v63  }
0x54: {  	v29 =	vadd.s32 v14, v29  }
0x55: {  	[tilespmem:s24], [sflag:$0x1] =	stream.indirect_vreg.gather [hbm4b:s6+s3], $0x80, v30, vm0, $0xb8;
	[tilespmem:$0x1C180] =	vst v63  }
0x56: {  	_ = 	snop  }
0x57: {  	[tilespmem:s25], [sflag:$0x1] =	stream.indirect_vreg.gather [hbm4b:s7+s3], $0x80, v30, vm0, $0xb8;
	[tilespmem:$0x1C180] =	vst v63  }
0x58: {  	s4 =	simm.s32 $0xA000  }
0x59: {  	[tilespmem:s4], [sflag:$0x1] =	stream.indirect_vreg.gather [hbm4b:s2+s3], $0x80, v29, vm0, $0xb8;
	[tilespmem:$0x1C180] =	vst v63  }
0x5a: {  	_ = 	snop  }
0x5b: {  	[tilespmem:s9], [sflag:$0x1] =	stream.indirect_vreg.gather [hbm4b:s5+s3], $0x80, v29, vm0, $0xb8;
	[tilespmem:$0x1C180] =	vst v63  }
0x5c: {  	_ = 	snop  }
0x5d: {  	[tilespmem:s10], [sflag:$0x1] =	stream.indirect_vreg.gather [hbm4b:s6+s3], $0x80, v29, vm0, $0xb8;
	[tilespmem:$0x1C180] =	vst v63  }
0x5e: {  	_ = 	snop  }
0x5f: {  	[tilespmem:s11], [sflag:$0x1] =	stream.indirect_vreg.gather [hbm4b:s7+s3], $0x80, v29, vm0, $0xb8;
	[tilespmem:$0x1C180] =	vst v63  }
0x60: {  	v29 =	vld [tilespmem:$0x1C030];
	_ =	sdelay $0x4  }
0x61: {  	v30 =	vshll.u32 v29, $0x3  }
0x62: {  	v29 =	vand.u32 $0x7, v29;
	v30 =	vand.u32 $0xFFFFFFC0, v30  }
0x63: {  	v29 =	vor.u32 v29, v30  }
0x64: {  	v30 =	vperm.xlane v29, v4;
	_ =	sdelay $0x1  }
0x65: {  	v30 =	vadd.s32 v14, v30;
	_ =	sdelay $0x4  }
0x66: {  	[tilespmem:s12], [sflag:$0x1] =	stream.indirect_vreg.gather [hbm4b:s2+s3], $0x80, v30, vm0, $0xb8;
	[tilespmem:$0x1C180] =	vst v63  }
0x67: {  	v29 =	vperm.xlane v29, v12  }
0x68: {  	[tilespmem:s13], [sflag:$0x1] =	stream.indirect_vreg.gather [hbm4b:s5+s3], $0x80, v30, vm0, $0xb8;
	[tilespmem:$0x1C180] =	vst v63  }
0x69: {  	v29 =	vadd.s32 v14, v29  }
0x6a: {  	[tilespmem:s14], [sflag:$0x1] =	stream.indirect_vreg.gather [hbm4b:s6+s3], $0x80, v30, vm0, $0xb8;
	[tilespmem:$0x1C180] =	vst v63  }
0x6b: {  	_ = 	snop  }
0x6c: {  	[tilespmem:s15], [sflag:$0x1] =	stream.indirect_vreg.gather [hbm4b:s7+s3], $0x80, v30, vm0, $0xb8;
	[tilespmem:$0x1C180] =	vst v63  }
0x6d: {  	_ = 	snop  }
0x6e: {  	[tilespmem:s16], [sflag:$0x1] =	stream.indirect_vreg.gather [hbm4b:s2+s3], $0x80, v29, vm0, $0xb8;
	[tilespmem:$0x1C180] =	vst v63  }
0x6f: {  	_ = 	snop  }
0x70: {  	[tilespmem:s17], [sflag:$0x1] =	stream.indirect_vreg.gather [hbm4b:s5+s3], $0x80, v29, vm0, $0xb8;
	[tilespmem:$0x1C180] =	vst v63  }
0x71: {  	_ = 	snop  }
0x72: {  	[tilespmem:s18], [sflag:$0x1] =	stream.indirect_vreg.gather [hbm4b:s6+s3], $0x80, v29, vm0, $0xb8;
	[tilespmem:$0x1C180] =	vst v63  }
0x73: {  	_ = 	snop  }
0x74: {  	[tilespmem:s19], [sflag:$0x1] =	stream.indirect_vreg.gather [hbm4b:s7+s3], $0x80, v29, vm0, $0xb8;
	[tilespmem:$0x1C180] =	vst v63  }
0x75: {  	_ =	swait.ge [sflag:s1], $0x10000  }
0x76: {  	[sflag:s1] =	ssyncset.done $0x0  }
0x77: {  	s29 =	rddreg [dreg:$0x16];
	[sflag:s1] =	ssyncadd.s32 $0xFFFF0000  }
0x78: {  	[hbm4b:s29+s3] =	stream.linear.scatter [tilespmem:s3], [sflag:$0x2], $0x10000, $0x38;
	[tilespmem:$0x1C180] =	vst v63  }
0x79: {  	s28 =	rddreg [dreg:$0x3]  }
0x7a: {  	[hbm4b:s28+s3] =	stream.linear.scatter [tilespmem:s3], [sflag:$0x2], $0x10000, $0x38;
	[tilespmem:$0x1C180] =	vst v63  }
0x7b: {  	s29 =	rddreg [dreg:$0x4]  }
0x7c: {  	[hbm4b:s29+s3] =	stream.linear.scatter [tilespmem:s3], [sflag:$0x2], $0x10000, $0x38;
	[tilespmem:$0x1C180] =	vst v63  }
0x7d: {  	s28 =	rddreg [dreg:$0x5]  }
0x7e: {  	[hbm4b:s28+s3] =	stream.linear.scatter [tilespmem:s3], [sflag:$0x2], $0x10000, $0x38;
	[tilespmem:$0x1C180] =	vst v63  }
0x7f: {  	[tilespmem:$0x1C080] =	vst v5  }
0x80: {  	[tilespmem:$0x1C090] =	vst v6  }
0x81: {  	[tilespmem:$0x1C0A0] =	vst v7  }
0x82: {  	[tilespmem:s0], [sflag:$0x1] =	stream.indirect_vreg.gather [hbm4b:s2+s3], $0x80, v21, vm0, $0xb8;
	[tilespmem:$0x1C180] =	vst v63  }
0x83: {  	_ = 	snop  }
0x84: {  	[tilespmem:s20], [sflag:$0x1] =	stream.indirect_vreg.gather [hbm4b:s5+s3], $0x80, v21, vm0, $0xb8;
	[tilespmem:$0x1C180] =	vst v63  }
0x85: {  	_ = 	snop  }
0x86: {  	[tilespmem:s21], [sflag:$0x1] =	stream.indirect_vreg.gather [hbm4b:s6+s3], $0x80, v21, vm0, $0xb8;
	[tilespmem:$0x1C180] =	vst v63  }
0x87: {  	_ = 	snop  }
0x88: {  	[tilespmem:s22], [sflag:$0x1] =	stream.indirect_vreg.gather [hbm4b:s7+s3], $0x80, v21, vm0, $0xb8;
	[tilespmem:$0x1C180] =	vst v63  }
0x89: {  	_ = 	snop  }
0x8a: {  	[tilespmem:s23], [sflag:$0x1] =	stream.indirect_vreg.gather [hbm4b:s2+s3], $0x80, v22, vm0, $0xb8;
	[tilespmem:$0x1C180] =	vst v63  }
0x8b: {  	s29 =	simm.s32 $0x12800  }
0x8c: {  	[tilespmem:s29], [sflag:$0x1] =	stream.indirect_vreg.gather [hbm4b:s5+s3], $0x80, v22, vm0, $0xb8;
	[tilespmem:$0x1C180] =	vst v63  }
0x8d: {  	s29 =	simm.s32 $0x13000  }
0x8e: {  	[tilespmem:s29], [sflag:$0x1] =	stream.indirect_vreg.gather [hbm4b:s6+s3], $0x80, v22, vm0, $0xb8;
	[tilespmem:$0x1C180] =	vst v63  }
0x8f: {  	s29 =	simm.s32 $0x13800  }
0x90: {  	[tilespmem:s29], [sflag:$0x1] =	stream.indirect_vreg.gather [hbm4b:s7+s3], $0x80, v22, vm0, $0xb8;
	[tilespmem:$0x1C180] =	vst v63  }
0x91: {  	v29 =	vld [tilespmem:$0x1C090];
	_ =	sdelay $0x4  }
0x92: {  	v30 =	vshll.u32 v29, $0x3  }
0x93: {  	v29 =	vand.u32 $0x7, v29;
	v30 =	vand.u32 $0xFFFFFFC0, v30  }
0x94: {  	v29 =	vor.u32 v29, v30  }
0x95: {  	v30 =	vperm.xlane v29, v4;
	_ =	sdelay $0x1  }
0x96: {  	v30 =	vadd.s32 v14, v30;
	_ =	sdelay $0x3  }
0x97: {  	s29 =	simm.s32 $0x14000  }
0x98: {  	[tilespmem:s29], [sflag:$0x1] =	stream.indirect_vreg.gather [hbm4b:s2+s3], $0x80, v30, vm0, $0xb8;
	[tilespmem:$0x1C180] =	vst v63  }
0x99: {  	v29 =	vperm.xlane v29, v12;
	s29 =	simm.s32 $0x14800  }
0x9a: {  	[tilespmem:s29], [sflag:$0x1] =	stream.indirect_vreg.gather [hbm4b:s5+s3], $0x80, v30, vm0, $0xb8;
	[tilespmem:$0x1C180] =	vst v63  }
0x9b: {  	v29 =	vadd.s32 v14, v29;
	s29 =	simm.s32 $0x15000  }
0x9c: {  	[tilespmem:s29], [sflag:$0x1] =	stream.indirect_vreg.gather [hbm4b:s6+s3], $0x80, v30, vm0, $0xb8;
	[tilespmem:$0x1C180] =	vst v63  }
0x9d: {  	s29 =	simm.s32 $0x15800  }
0x9e: {  	[tilespmem:s29], [sflag:$0x1] =	stream.indirect_vreg.gather [hbm4b:s7+s3], $0x80, v30, vm0, $0xb8;
	[tilespmem:$0x1C180] =	vst v63  }
0x9f: {  	s29 =	simm.s32 $0x16000  }
0xa0: {  	[tilespmem:s29], [sflag:$0x1] =	stream.indirect_vreg.gather [hbm4b:s2+s3], $0x80, v29, vm0, $0xb8;
	[tilespmem:$0x1C180] =	vst v63  }
0xa1: {  	s29 =	simm.s32 $0x16800  }
0xa2: {  	[tilespmem:s29], [sflag:$0x1] =	stream.indirect_vreg.gather [hbm4b:s5+s3], $0x80, v29, vm0, $0xb8;
	[tilespmem:$0x1C180] =	vst v63  }
0xa3: {  	s29 =	simm.s32 $0x17000  }
0xa4: {  	[tilespmem:s29], [sflag:$0x1] =	stream.indirect_vreg.gather [hbm4b:s6+s3], $0x80, v29, vm0, $0xb8;
	[tilespmem:$0x1C180] =	vst v63  }
0xa5: {  	s29 =	simm.s32 $0x17800  }
0xa6: {  	[tilespmem:s29], [sflag:$0x1] =	stream.indirect_vreg.gather [hbm4b:s7+s3], $0x80, v29, vm0, $0xb8;
	[tilespmem:$0x1C180] =	vst v63  }
0xa7: {  	v29 =	vld [tilespmem:$0x1C0A0];
	_ =	sdelay $0x4  }
0xa8: {  	v30 =	vshll.u32 v29, $0x3  }
0xa9: {  	v29 =	vand.u32 $0x7, v29;
	v30 =	vand.u32 $0xFFFFFFC0, v30  }
0xaa: {  	v29 =	vor.u32 v29, v30  }
0xab: {  	v30 =	vperm.xlane v29, v4;
	_ =	sdelay $0x1  }
0xac: {  	v30 =	vadd.s32 v14, v30;
	_ =	sdelay $0x3  }
0xad: {  	s29 =	simm.s32 $0x18000  }
0xae: {  	[tilespmem:s29], [sflag:$0x1] =	stream.indirect_vreg.gather [hbm4b:s2+s3], $0x80, v30, vm0, $0xb8;
	[tilespmem:$0x1C180] =	vst v63  }
0xaf: {  	v29 =	vperm.xlane v29, v12;
	s29 =	simm.s32 $0x18800  }
0xb0: {  	[tilespmem:s29], [sflag:$0x1] =	stream.indirect_vreg.gather [hbm4b:s5+s3], $0x80, v30, vm0, $0xb8;
	[tilespmem:$0x1C180] =	vst v63  }
0xb1: {  	v29 =	vadd.s32 v14, v29;
	s29 =	simm.s32 $0x19000  }
0xb2: {  	[tilespmem:s29], [sflag:$0x1] =	stream.indirect_vreg.gather [hbm4b:s6+s3], $0x80, v30, vm0, $0xb8;
	[tilespmem:$0x1C180] =	vst v63  }
0xb3: {  	s29 =	simm.s32 $0x19800  }
0xb4: {  	[tilespmem:s29], [sflag:$0x1] =	stream.indirect_vreg.gather [hbm4b:s7+s3], $0x80, v30, vm0, $0xb8;
	[tilespmem:$0x1C180] =	vst v63  }
0xb5: {  	s29 =	simm.s32 $0x1A000  }
0xb6: {  	[tilespmem:s29], [sflag:$0x1] =	stream.indirect_vreg.gather [hbm4b:s2+s3], $0x80, v29, vm0, $0xb8;
	[tilespmem:$0x1C180] =	vst v63  }
0xb7: {  	s29 =	simm.s32 $0x1A800  }
0xb8: {  	[tilespmem:s29], [sflag:$0x1] =	stream.indirect_vreg.gather [hbm4b:s5+s3], $0x80, v29, vm0, $0xb8;
	[tilespmem:$0x1C180] =	vst v63  }
0xb9: {  	s29 =	simm.s32 $0x1B000  }
0xba: {  	[tilespmem:s29], [sflag:$0x1] =	stream.indirect_vreg.gather [hbm4b:s6+s3], $0x80, v29, vm0, $0xb8;
	[tilespmem:$0x1C180] =	vst v63  }
0xbb: {  	s29 =	simm.s32 $0x1B800  }
0xbc: {  	[tilespmem:s29], [sflag:$0x1] =	stream.indirect_vreg.gather [hbm4b:s7+s3], $0x80, v29, vm0, $0xb8;
	[tilespmem:$0x1C180] =	vst v63  }
0xbd: {  	_ =	swait.ge [sflag:s1], $0xC000  }
0xbe: {  	[sflag:s1] =	ssyncset.done $0x0  }
0xbf: {  	s28 =	rddreg [dreg:$0x6];
	[sflag:s1] =	ssyncadd.s32 $0xFFFF4000  }
0xc0: {  	[hbm4b:s28+s3] =	stream.linear.scatter [tilespmem:s0], [sflag:$0x2], $0xC000, $0x38;
	[tilespmem:$0x1C180] =	vst v63  }
0xc1: {  	s29 =	rddreg [dreg:$0x7]  }
0xc2: {  	[hbm4b:s29+s3] =	stream.linear.scatter [tilespmem:s0], [sflag:$0x2], $0xC000, $0x38;
	[tilespmem:$0x1C180] =	vst v63  }
0xc3: {  	s28 =	rddreg [dreg:$0x8]  }
0xc4: {  	[hbm4b:s28+s3] =	stream.linear.scatter [tilespmem:s0], [sflag:$0x2], $0xC000, $0x38;
	[tilespmem:$0x1C180] =	vst v63  }
0xc5: {  	s29 =	rddreg [dreg:$0x9]  }
0xc6: {  	[hbm4b:s29+s3] =	stream.linear.scatter [tilespmem:s0], [sflag:$0x2], $0xC000, $0x38;
	[tilespmem:$0x1C180] =	vst v63  }
0xc7: {  	_ =	swait.ge [sflag:s26], $0x10000  }
0xc8: {  	[sflag:s26] =	ssyncset.done $0x0  }
0xc9: {  	[sflag:s26] =	ssyncadd.s32 $0xFFFF0000  }
0xca: {  	_ =	swait.ge [sflag:s26], $0x10000  }
0xcb: {  	[sflag:s26] =	ssyncset.done $0x0  }
0xcc: {  	[sflag:s26] =	ssyncadd.s32 $0xFFFF0000  }
0xcd: {  	_ =	swait.ge [sflag:s26], $0x10000  }
0xce: {  	[sflag:s26] =	ssyncset.done $0x0  }
0xcf: {  	[sflag:s26] =	ssyncadd.s32 $0xFFFF0000  }
0xd0: {  	_ =	swait.ge [sflag:s26], $0x10000  }
0xd1: {  	[sflag:s26] =	ssyncset.done $0x0  }
0xd2: {  	[sflag:s26] =	ssyncadd.s32 $0xFFFF0000  }
0xd3: {  	[tilespmem:$0x1C000] =	vst v8  }
0xd4: {  	[tilespmem:$0x1C010] =	vst v9  }
0xd5: {  	[tilespmem:$0x1C020] =	vst v10  }
0xd6: {  	[tilespmem:$0x1C030] =	vst v11  }
0xd7: {  	[tilespmem:s3], [sflag:$0x1] =	stream.indirect_vreg.gather [hbm4b:s2+s3], $0x80, v23, vm0, $0xb8;
	[tilespmem:$0x1C180] =	vst v63  }
0xd8: {  	s29 =	simm.s32 $0x800  }
0xd9: {  	[tilespmem:s29], [sflag:$0x1] =	stream.indirect_vreg.gather [hbm4b:s5+s3], $0x80, v23, vm0, $0xb8;
	[tilespmem:$0x1C180] =	vst v63  }
0xda: {  	s29 =	simm.s32 $0x1000  }
0xdb: {  	[tilespmem:s29], [sflag:$0x1] =	stream.indirect_vreg.gather [hbm4b:s6+s3], $0x80, v23, vm0, $0xb8;
	[tilespmem:$0x1C180] =	vst v63  }
0xdc: {  	s29 =	simm.s32 $0x1800  }
0xdd: {  	[tilespmem:s29], [sflag:$0x1] =	stream.indirect_vreg.gather [hbm4b:s7+s3], $0x80, v23, vm0, $0xb8;
	[tilespmem:$0x1C180] =	vst v63  }
0xde: {  	s29 =	simm.s32 $0x2000  }
0xdf: {  	[tilespmem:s29], [sflag:$0x1] =	stream.indirect_vreg.gather [hbm4b:s2+s3], $0x80, v24, vm0, $0xb8;
	[tilespmem:$0x1C180] =	vst v63  }
0xe0: {  	s29 =	simm.s32 $0x2800  }
0xe1: {  	[tilespmem:s29], [sflag:$0x1] =	stream.indirect_vreg.gather [hbm4b:s5+s3], $0x80, v24, vm0, $0xb8;
	[tilespmem:$0x1C180] =	vst v63  }
0xe2: {  	s29 =	simm.s32 $0x3000  }
0xe3: {  	[tilespmem:s29], [sflag:$0x1] =	stream.indirect_vreg.gather [hbm4b:s6+s3], $0x80, v24, vm0, $0xb8;
	[tilespmem:$0x1C180] =	vst v63  }
0xe4: {  	s29 =	simm.s32 $0x3800  }
0xe5: {  	[tilespmem:s29], [sflag:$0x1] =	stream.indirect_vreg.gather [hbm4b:s7+s3], $0x80, v24, vm0, $0xb8;
	[tilespmem:$0x1C180] =	vst v63  }
0xe6: {  	v29 =	vld [tilespmem:$0x1C010];
	_ =	sdelay $0x4  }
0xe7: {  	v30 =	vshll.u32 v29, $0x3  }
0xe8: {  	v29 =	vand.u32 $0x7, v29;
	v30 =	vand.u32 $0xFFFFFFC0, v30  }
0xe9: {  	v29 =	vor.u32 v29, v30  }
0xea: {  	v30 =	vperm.xlane v29, v4;
	_ =	sdelay $0x1  }
0xeb: {  	v30 =	vadd.s32 v14, v30;
	_ =	sdelay $0x3  }
0xec: {  	s29 =	simm.s32 $0x4000  }
0xed: {  	[tilespmem:s29], [sflag:$0x1] =	stream.indirect_vreg.gather [hbm4b:s2+s3], $0x80, v30, vm0, $0xb8;
	[tilespmem:$0x1C180] =	vst v63  }
0xee: {  	v29 =	vperm.xlane v29, v12;
	s29 =	simm.s32 $0x4800  }
0xef: {  	[tilespmem:s29], [sflag:$0x1] =	stream.indirect_vreg.gather [hbm4b:s5+s3], $0x80, v30, vm0, $0xb8;
	[tilespmem:$0x1C180] =	vst v63  }
0xf0: {  	v29 =	vadd.s32 v14, v29;
	s29 =	simm.s32 $0x5000  }
0xf1: {  	[tilespmem:s29], [sflag:$0x1] =	stream.indirect_vreg.gather [hbm4b:s6+s3], $0x80, v30, vm0, $0xb8;
	[tilespmem:$0x1C180] =	vst v63  }
0xf2: {  	s29 =	simm.s32 $0x5800  }
0xf3: {  	[tilespmem:s29], [sflag:$0x1] =	stream.indirect_vreg.gather [hbm4b:s7+s3], $0x80, v30, vm0, $0xb8;
	[tilespmem:$0x1C180] =	vst v63  }
0xf4: {  	s29 =	simm.s32 $0x6000  }
0xf5: {  	[tilespmem:s29], [sflag:$0x1] =	stream.indirect_vreg.gather [hbm4b:s2+s3], $0x80, v29, vm0, $0xb8;
	[tilespmem:$0x1C180] =	vst v63  }
0xf6: {  	s29 =	simm.s32 $0x6800  }
0xf7: {  	[tilespmem:s29], [sflag:$0x1] =	stream.indirect_vreg.gather [hbm4b:s5+s3], $0x80, v29, vm0, $0xb8;
	[tilespmem:$0x1C180] =	vst v63  }
0xf8: {  	s29 =	simm.s32 $0x7000  }
0xf9: {  	[tilespmem:s29], [sflag:$0x1] =	stream.indirect_vreg.gather [hbm4b:s6+s3], $0x80, v29, vm0, $0xb8;
	[tilespmem:$0x1C180] =	vst v63  }
0xfa: {  	s29 =	simm.s32 $0x7800  }
0xfb: {  	[tilespmem:s29], [sflag:$0x1] =	stream.indirect_vreg.gather [hbm4b:s7+s3], $0x80, v29, vm0, $0xb8;
	[tilespmem:$0x1C180] =	vst v63  }
0xfc: {  	v29 =	vld [tilespmem:$0x1C020];
	_ =	sdelay $0x4  }
0xfd: {  	v30 =	vshll.u32 v29, $0x3  }
0xfe: {  	v29 =	vand.u32 $0x7, v29;
	v30 =	vand.u32 $0xFFFFFFC0, v30  }
0xff: {  	v29 =	vor.u32 v29, v30  }
0x100: {  	v30 =	vperm.xlane v29, v4;
	_ =	sdelay $0x1  }
0x101: {  	v30 =	vadd.s32 v14, v30;
	_ =	sdelay $0x4  }
0x102: {  	[tilespmem:s30], [sflag:$0x1] =	stream.indirect_vreg.gather [hbm4b:s2+s3], $0x80, v30, vm0, $0xb8;
	[tilespmem:$0x1C180] =	vst v63  }
0x103: {  	v29 =	vperm.xlane v29, v12  }
0x104: {  	[tilespmem:s31], [sflag:$0x1] =	stream.indirect_vreg.gather [hbm4b:s5+s3], $0x80, v30, vm0, $0xb8;
	[tilespmem:$0x1C180] =	vst v63  }
0x105: {  	v29 =	vadd.s32 v14, v29  }
0x106: {  	[tilespmem:s24], [sflag:$0x1] =	stream.indirect_vreg.gather [hbm4b:s6+s3], $0x80, v30, vm0, $0xb8;
	[tilespmem:$0x1C180] =	vst v63  }
0x107: {  	_ = 	snop  }
0x108: {  	[tilespmem:s25], [sflag:$0x1] =	stream.indirect_vreg.gather [hbm4b:s7+s3], $0x80, v30, vm0, $0xb8;
	[tilespmem:$0x1C180] =	vst v63  }
0x109: {  	_ = 	snop  }
0x10a: {  	[tilespmem:s4], [sflag:$0x1] =	stream.indirect_vreg.gather [hbm4b:s2+s3], $0x80, v29, vm0, $0xb8;
	[tilespmem:$0x1C180] =	vst v63  }
0x10b: {  	_ = 	snop  }
0x10c: {  	[tilespmem:s9], [sflag:$0x1] =	stream.indirect_vreg.gather [hbm4b:s5+s3], $0x80, v29, vm0, $0xb8;
	[tilespmem:$0x1C180] =	vst v63  }
0x10d: {  	_ = 	snop  }
0x10e: {  	[tilespmem:s10], [sflag:$0x1] =	stream.indirect_vreg.gather [hbm4b:s6+s3], $0x80, v29, vm0, $0xb8;
	[tilespmem:$0x1C180] =	vst v63  }
0x10f: {  	_ = 	snop  }
0x110: {  	[tilespmem:s11], [sflag:$0x1] =	stream.indirect_vreg.gather [hbm4b:s7+s3], $0x80, v29, vm0, $0xb8;
	[tilespmem:$0x1C180] =	vst v63  }
0x111: {  	v29 =	vld [tilespmem:$0x1C030];
	_ =	sdelay $0x4  }
0x112: {  	v30 =	vshll.u32 v29, $0x3  }
0x113: {  	v29 =	vand.u32 $0x7, v29;
	v30 =	vand.u32 $0xFFFFFFC0, v30  }
0x114: {  	v29 =	vor.u32 v29, v30  }
0x115: {  	v30 =	vperm.xlane v29, v4;
	_ =	sdelay $0x1  }
0x116: {  	v30 =	vadd.s32 v14, v30;
	_ =	sdelay $0x4  }
0x117: {  	[tilespmem:s12], [sflag:$0x1] =	stream.indirect_vreg.gather [hbm4b:s2+s3], $0x80, v30, vm0, $0xb8;
	[tilespmem:$0x1C180] =	vst v63  }
0x118: {  	v29 =	vperm.xlane v29, v12  }
0x119: {  	[tilespmem:s13], [sflag:$0x1] =	stream.indirect_vreg.gather [hbm4b:s5+s3], $0x80, v30, vm0, $0xb8;
	[tilespmem:$0x1C180] =	vst v63  }
0x11a: {  	v29 =	vadd.s32 v14, v29  }
0x11b: {  	[tilespmem:s14], [sflag:$0x1] =	stream.indirect_vreg.gather [hbm4b:s6+s3], $0x80, v30, vm0, $0xb8;
	[tilespmem:$0x1C180] =	vst v63  }
0x11c: {  	_ = 	snop  }
0x11d: {  	[tilespmem:s15], [sflag:$0x1] =	stream.indirect_vreg.gather [hbm4b:s7+s3], $0x80, v30, vm0, $0xb8;
	[tilespmem:$0x1C180] =	vst v63  }
0x11e: {  	_ = 	snop  }
0x11f: {  	[tilespmem:s16], [sflag:$0x1] =	stream.indirect_vreg.gather [hbm4b:s2+s3], $0x80, v29, vm0, $0xb8;
	[tilespmem:$0x1C180] =	vst v63  }
0x120: {  	_ = 	snop  }
0x121: {  	[tilespmem:s17], [sflag:$0x1] =	stream.indirect_vreg.gather [hbm4b:s5+s3], $0x80, v29, vm0, $0xb8;
	[tilespmem:$0x1C180] =	vst v63  }
0x122: {  	_ = 	snop  }
0x123: {  	[tilespmem:s18], [sflag:$0x1] =	stream.indirect_vreg.gather [hbm4b:s6+s3], $0x80, v29, vm0, $0xb8;
	[tilespmem:$0x1C180] =	vst v63  }
0x124: {  	_ = 	snop  }
0x125: {  	[tilespmem:s19], [sflag:$0x1] =	stream.indirect_vreg.gather [hbm4b:s7+s3], $0x80, v29, vm0, $0xb8;
	[tilespmem:$0x1C180] =	vst v63  }
0x126: {  	_ =	swait.ge [sflag:s1], $0x10000  }
0x127: {  	[sflag:s1] =	ssyncset.done $0x0  }
0x128: {  	s28 =	rddreg [dreg:$0xa];
	[sflag:s1] =	ssyncadd.s32 $0xFFFF0000  }
0x129: {  	[hbm4b:s28+s3] =	stream.linear.scatter [tilespmem:s3], [sflag:$0x2], $0x10000, $0x38;
	[tilespmem:$0x1C180] =	vst v63  }
0x12a: {  	s4 =	rddreg [dreg:$0xb]  }
0x12b: {  	[hbm4b:s4+s3] =	stream.linear.scatter [tilespmem:s3], [sflag:$0x2], $0x10000, $0x38;
	[tilespmem:$0x1C180] =	vst v63  }
0x12c: {  	s28 =	rddreg [dreg:$0xc]  }
0x12d: {  	[hbm4b:s28+s3] =	stream.linear.scatter [tilespmem:s3], [sflag:$0x2], $0x10000, $0x38;
	[tilespmem:$0x1C180] =	vst v63  }
0x12e: {  	s4 =	rddreg [dreg:$0xd]  }
0x12f: {  	[hbm4b:s4+s3] =	stream.linear.scatter [tilespmem:s3], [sflag:$0x2], $0x10000, $0x38;
	[tilespmem:$0x1C180] =	vst v63  }
0x130: {  	_ =	swait.ge [sflag:s26], $0xC000  }
0x131: {  	[sflag:s26] =	ssyncset.done $0x0  }
0x132: {  	[sflag:s26] =	ssyncadd.s32 $0xFFFF4000  }
0x133: {  	_ =	swait.ge [sflag:s26], $0xC000  }
0x134: {  	[sflag:s26] =	ssyncset.done $0x0  }
0x135: {  	[sflag:s26] =	ssyncadd.s32 $0xFFFF4000  }
0x136: {  	_ =	swait.ge [sflag:s26], $0xC000  }
0x137: {  	[sflag:s26] =	ssyncset.done $0x0  }
0x138: {  	[sflag:s26] =	ssyncadd.s32 $0xFFFF4000  }
0x139: {  	_ =	swait.ge [sflag:s26], $0xC000  }
0x13a: {  	[sflag:s26] =	ssyncset.done $0x0  }
0x13b: {  	[sflag:s26] =	ssyncadd.s32 $0xFFFF4000  }
0x13c: {  	[tilespmem:$0x1C080] =	vst v13  }
0x13d: {  	[tilespmem:$0x1C090] =	vst v15  }
0x13e: {  	[tilespmem:$0x1C0A0] =	vst v16  }
0x13f: {  	[tilespmem:s0], [sflag:$0x1] =	stream.indirect_vreg.gather [hbm4b:s2+s3], $0x80, v25, vm0, $0xb8;
	[tilespmem:$0x1C180] =	vst v63  }
0x140: {  	_ = 	snop  }
0x141: {  	[tilespmem:s20], [sflag:$0x1] =	stream.indirect_vreg.gather [hbm4b:s5+s3], $0x80, v25, vm0, $0xb8;
	[tilespmem:$0x1C180] =	vst v63  }
0x142: {  	_ = 	snop  }
0x143: {  	[tilespmem:s21], [sflag:$0x1] =	stream.indirect_vreg.gather [hbm4b:s6+s3], $0x80, v25, vm0, $0xb8;
	[tilespmem:$0x1C180] =	vst v63  }
0x144: {  	_ = 	snop  }
0x145: {  	[tilespmem:s22], [sflag:$0x1] =	stream.indirect_vreg.gather [hbm4b:s7+s3], $0x80, v25, vm0, $0xb8;
	[tilespmem:$0x1C180] =	vst v63  }
0x146: {  	_ = 	snop  }
0x147: {  	[tilespmem:s23], [sflag:$0x1] =	stream.indirect_vreg.gather [hbm4b:s2+s3], $0x80, v26, vm0, $0xb8;
	[tilespmem:$0x1C180] =	vst v63  }
0x148: {  	s29 =	simm.s32 $0x12800  }
0x149: {  	[tilespmem:s29], [sflag:$0x1] =	stream.indirect_vreg.gather [hbm4b:s5+s3], $0x80, v26, vm0, $0xb8;
	[tilespmem:$0x1C180] =	vst v63  }
0x14a: {  	s28 =	simm.s32 $0x13000  }
0x14b: {  	[tilespmem:s28], [sflag:$0x1] =	stream.indirect_vreg.gather [hbm4b:s6+s3], $0x80, v26, vm0, $0xb8;
	[tilespmem:$0x1C180] =	vst v63  }
0x14c: {  	s29 =	simm.s32 $0x13800  }
0x14d: {  	[tilespmem:s29], [sflag:$0x1] =	stream.indirect_vreg.gather [hbm4b:s7+s3], $0x80, v26, vm0, $0xb8;
	[tilespmem:$0x1C180] =	vst v63  }
0x14e: {  	v29 =	vld [tilespmem:$0x1C090];
	_ =	sdelay $0x4  }
0x14f: {  	v30 =	vshll.u32 v29, $0x3  }
0x150: {  	v29 =	vand.u32 $0x7, v29;
	v30 =	vand.u32 $0xFFFFFFC0, v30  }
0x151: {  	v29 =	vor.u32 v29, v30  }
0x152: {  	v30 =	vperm.xlane v29, v4;
	_ =	sdelay $0x1  }
0x153: {  	v30 =	vadd.s32 v14, v30;
	_ =	sdelay $0x3  }
0x154: {  	s28 =	simm.s32 $0x14000  }
0x155: {  	[tilespmem:s28], [sflag:$0x1] =	stream.indirect_vreg.gather [hbm4b:s2+s3], $0x80, v30, vm0, $0xb8;
	[tilespmem:$0x1C180] =	vst v63  }
0x156: {  	s29 =	simm.s32 $0x14800;
	v29 =	vperm.xlane v29, v12  }
0x157: {  	[tilespmem:s29], [sflag:$0x1] =	stream.indirect_vreg.gather [hbm4b:s5+s3], $0x80, v30, vm0, $0xb8;
	[tilespmem:$0x1C180] =	vst v63  }
0x158: {  	v29 =	vadd.s32 v14, v29;
	s28 =	simm.s32 $0x15000  }
0x159: {  	[tilespmem:s28], [sflag:$0x1] =	stream.indirect_vreg.gather [hbm4b:s6+s3], $0x80, v30, vm0, $0xb8;
	[tilespmem:$0x1C180] =	vst v63  }
0x15a: {  	s29 =	simm.s32 $0x15800  }
0x15b: {  	[tilespmem:s29], [sflag:$0x1] =	stream.indirect_vreg.gather [hbm4b:s7+s3], $0x80, v30, vm0, $0xb8;
	[tilespmem:$0x1C180] =	vst v63  }
0x15c: {  	s28 =	simm.s32 $0x16000  }
0x15d: {  	[tilespmem:s28], [sflag:$0x1] =	stream.indirect_vreg.gather [hbm4b:s2+s3], $0x80, v29, vm0, $0xb8;
	[tilespmem:$0x1C180] =	vst v63  }
0x15e: {  	s29 =	simm.s32 $0x16800  }
0x15f: {  	[tilespmem:s29], [sflag:$0x1] =	stream.indirect_vreg.gather [hbm4b:s5+s3], $0x80, v29, vm0, $0xb8;
	[tilespmem:$0x1C180] =	vst v63  }
0x160: {  	s28 =	simm.s32 $0x17000  }
0x161: {  	[tilespmem:s28], [sflag:$0x1] =	stream.indirect_vreg.gather [hbm4b:s6+s3], $0x80, v29, vm0, $0xb8;
	[tilespmem:$0x1C180] =	vst v63  }
0x162: {  	s29 =	simm.s32 $0x17800  }
0x163: {  	[tilespmem:s29], [sflag:$0x1] =	stream.indirect_vreg.gather [hbm4b:s7+s3], $0x80, v29, vm0, $0xb8;
	[tilespmem:$0x1C180] =	vst v63  }
0x164: {  	v29 =	vld [tilespmem:$0x1C0A0];
	_ =	sdelay $0x4  }
0x165: {  	v30 =	vshll.u32 v29, $0x3  }
0x166: {  	v29 =	vand.u32 $0x7, v29;
	v30 =	vand.u32 $0xFFFFFFC0, v30  }
0x167: {  	v29 =	vor.u32 v29, v30  }
0x168: {  	v30 =	vperm.xlane v29, v4;
	_ =	sdelay $0x1  }
0x169: {  	v30 =	vadd.s32 v14, v30;
	_ =	sdelay $0x3  }
0x16a: {  	s28 =	simm.s32 $0x18000  }
0x16b: {  	[tilespmem:s28], [sflag:$0x1] =	stream.indirect_vreg.gather [hbm4b:s2+s3], $0x80, v30, vm0, $0xb8;
	[tilespmem:$0x1C180] =	vst v63  }
0x16c: {  	s29 =	simm.s32 $0x18800;
	v29 =	vperm.xlane v29, v12  }
0x16d: {  	[tilespmem:s29], [sflag:$0x1] =	stream.indirect_vreg.gather [hbm4b:s5+s3], $0x80, v30, vm0, $0xb8;
	[tilespmem:$0x1C180] =	vst v63  }
0x16e: {  	v29 =	vadd.s32 v14, v29;
	s28 =	simm.s32 $0x19000  }
0x16f: {  	[tilespmem:s28], [sflag:$0x1] =	stream.indirect_vreg.gather [hbm4b:s6+s3], $0x80, v30, vm0, $0xb8;
	[tilespmem:$0x1C180] =	vst v63  }
0x170: {  	s29 =	simm.s32 $0x19800  }
0x171: {  	[tilespmem:s29], [sflag:$0x1] =	stream.indirect_vreg.gather [hbm4b:s7+s3], $0x80, v30, vm0, $0xb8;
	[tilespmem:$0x1C180] =	vst v63  }
0x172: {  	s28 =	simm.s32 $0x1A000  }
0x173: {  	[tilespmem:s28], [sflag:$0x1] =	stream.indirect_vreg.gather [hbm4b:s2+s3], $0x80, v29, vm0, $0xb8;
	[tilespmem:$0x1C180] =	vst v63  }
0x174: {  	s29 =	simm.s32 $0x1A800  }
0x175: {  	[tilespmem:s29], [sflag:$0x1] =	stream.indirect_vreg.gather [hbm4b:s5+s3], $0x80, v29, vm0, $0xb8;
	[tilespmem:$0x1C180] =	vst v63  }
0x176: {  	s28 =	simm.s32 $0x1B000  }
0x177: {  	[tilespmem:s28], [sflag:$0x1] =	stream.indirect_vreg.gather [hbm4b:s6+s3], $0x80, v29, vm0, $0xb8;
	[tilespmem:$0x1C180] =	vst v63  }
0x178: {  	s29 =	simm.s32 $0x1B800  }
0x179: {  	[tilespmem:s29], [sflag:$0x1] =	stream.indirect_vreg.gather [hbm4b:s7+s3], $0x80, v29, vm0, $0xb8;
	[tilespmem:$0x1C180] =	vst v63  }
0x17a: {  	_ =	swait.ge [sflag:s1], $0xC000  }
0x17b: {  	[sflag:s1] =	ssyncset.done $0x0  }
0x17c: {  	s28 =	rddreg [dreg:$0xe];
	[sflag:s1] =	ssyncadd.s32 $0xFFFF4000  }
0x17d: {  	[hbm4b:s28+s3] =	stream.linear.scatter [tilespmem:s0], [sflag:$0x2], $0xC000, $0x38;
	[tilespmem:$0x1C180] =	vst v63  }
0x17e: {  	s4 =	rddreg [dreg:$0xf]  }
0x17f: {  	[hbm4b:s4+s3] =	stream.linear.scatter [tilespmem:s0], [sflag:$0x2], $0xC000, $0x38;
	[tilespmem:$0x1C180] =	vst v63  }
0x180: {  	s28 =	rddreg [dreg:$0x10]  }
0x181: {  	[hbm4b:s28+s3] =	stream.linear.scatter [tilespmem:s0], [sflag:$0x2], $0xC000, $0x38;
	[tilespmem:$0x1C180] =	vst v63  }
0x182: {  	s4 =	rddreg [dreg:$0x11]  }
0x183: {  	[hbm4b:s4+s3] =	stream.linear.scatter [tilespmem:s0], [sflag:$0x2], $0xC000, $0x38;
	[tilespmem:$0x1C180] =	vst v63  }
0x184: {  	_ =	swait.ge [sflag:s26], $0x10000  }
0x185: {  	[sflag:s26] =	ssyncset.done $0x0  }
0x186: {  	[sflag:s26] =	ssyncadd.s32 $0xFFFF0000  }
0x187: {  	_ =	swait.ge [sflag:s26], $0x10000  }
0x188: {  	[sflag:s26] =	ssyncset.done $0x0  }
0x189: {  	[sflag:s26] =	ssyncadd.s32 $0xFFFF0000  }
0x18a: {  	_ =	swait.ge [sflag:s26], $0x10000  }
0x18b: {  	[sflag:s26] =	ssyncset.done $0x0  }
0x18c: {  	[sflag:s26] =	ssyncadd.s32 $0xFFFF0000  }
0x18d: {  	_ =	swait.ge [sflag:s26], $0x10000  }
0x18e: {  	[sflag:s26] =	ssyncset.done $0x0  }
0x18f: {  	[sflag:s26] =	ssyncadd.s32 $0xFFFF0000  }
0x190: {  	[tilespmem:$0x1C100] =	vst v17  }
0x191: {  	[tilespmem:$0x1C110] =	vst v18  }
0x192: {  	[tilespmem:s3], [sflag:$0x1] =	stream.indirect_vreg.gather [hbm4b:s2+s3], $0x80, v27, vm0, $0xb8;
	[tilespmem:$0x1C180] =	vst v63  }
0x193: {  	s29 =	simm.s32 $0x800  }
0x194: {  	[tilespmem:s29], [sflag:$0x1] =	stream.indirect_vreg.gather [hbm4b:s5+s3], $0x80, v27, vm0, $0xb8;
	[tilespmem:$0x1C180] =	vst v63  }
0x195: {  	s28 =	simm.s32 $0x1000  }
0x196: {  	[tilespmem:s28], [sflag:$0x1] =	stream.indirect_vreg.gather [hbm4b:s6+s3], $0x80, v27, vm0, $0xb8;
	[tilespmem:$0x1C180] =	vst v63  }
0x197: {  	s29 =	simm.s32 $0x1800  }
0x198: {  	[tilespmem:s29], [sflag:$0x1] =	stream.indirect_vreg.gather [hbm4b:s7+s3], $0x80, v27, vm0, $0xb8;
	[tilespmem:$0x1C180] =	vst v63  }
0x199: {  	s28 =	simm.s32 $0x2000  }
0x19a: {  	[tilespmem:s28], [sflag:$0x1] =	stream.indirect_vreg.gather [hbm4b:s2+s3], $0x80, v28, vm0, $0xb8;
	[tilespmem:$0x1C180] =	vst v63  }
0x19b: {  	s29 =	simm.s32 $0x2800  }
0x19c: {  	[tilespmem:s29], [sflag:$0x1] =	stream.indirect_vreg.gather [hbm4b:s5+s3], $0x80, v28, vm0, $0xb8;
	[tilespmem:$0x1C180] =	vst v63  }
0x19d: {  	s28 =	simm.s32 $0x3000  }
0x19e: {  	[tilespmem:s28], [sflag:$0x1] =	stream.indirect_vreg.gather [hbm4b:s6+s3], $0x80, v28, vm0, $0xb8;
	[tilespmem:$0x1C180] =	vst v63  }
0x19f: {  	s29 =	simm.s32 $0x3800  }
0x1a0: {  	[tilespmem:s29], [sflag:$0x1] =	stream.indirect_vreg.gather [hbm4b:s7+s3], $0x80, v28, vm0, $0xb8;
	[tilespmem:$0x1C180] =	vst v63  }
0x1a1: {  	v29 =	vld [tilespmem:$0x1C110];
	_ =	sdelay $0x4  }
0x1a2: {  	v30 =	vshll.u32 v29, $0x3  }
0x1a3: {  	v29 =	vand.u32 $0x7, v29;
	v30 =	vand.u32 $0xFFFFFFC0, v30  }
0x1a4: {  	v29 =	vor.u32 v29, v30  }
0x1a5: {  	v30 =	vperm.xlane v29, v4;
	_ =	sdelay $0x1  }
0x1a6: {  	v30 =	vadd.s32 v14, v30;
	_ =	sdelay $0x3  }
0x1a7: {  	s28 =	simm.s32 $0x4000  }
0x1a8: {  	[tilespmem:s28], [sflag:$0x1] =	stream.indirect_vreg.gather [hbm4b:s2+s3], $0x80, v30, vm0, $0xb8;
	[tilespmem:$0x1C180] =	vst v63  }
0x1a9: {  	s29 =	simm.s32 $0x4800;
	v29 =	vperm.xlane v29, v12  }
0x1aa: {  	[tilespmem:s29], [sflag:$0x1] =	stream.indirect_vreg.gather [hbm4b:s5+s3], $0x80, v30, vm0, $0xb8;
	[tilespmem:$0x1C180] =	vst v63  }
0x1ab: {  	v29 =	vadd.s32 v14, v29;
	s28 =	simm.s32 $0x5000  }
0x1ac: {  	[tilespmem:s28], [sflag:$0x1] =	stream.indirect_vreg.gather [hbm4b:s6+s3], $0x80, v30, vm0, $0xb8;
	[tilespmem:$0x1C180] =	vst v63  }
0x1ad: {  	s29 =	simm.s32 $0x5800  }
0x1ae: {  	[tilespmem:s29], [sflag:$0x1] =	stream.indirect_vreg.gather [hbm4b:s7+s3], $0x80, v30, vm0, $0xb8;
	[tilespmem:$0x1C180] =	vst v63  }
0x1af: {  	s28 =	simm.s32 $0x6000  }
0x1b0: {  	[tilespmem:s28], [sflag:$0x1] =	stream.indirect_vreg.gather [hbm4b:s2+s3], $0x80, v29, vm0, $0xb8;
	[tilespmem:$0x1C180] =	vst v63  }
0x1b1: {  	s29 =	simm.s32 $0x6800  }
0x1b2: {  	[tilespmem:s29], [sflag:$0x1] =	stream.indirect_vreg.gather [hbm4b:s5+s3], $0x80, v29, vm0, $0xb8;
	[tilespmem:$0x1C180] =	vst v63  }
0x1b3: {  	s28 =	simm.s32 $0x7000  }
0x1b4: {  	[tilespmem:s28], [sflag:$0x1] =	stream.indirect_vreg.gather [hbm4b:s6+s3], $0x80, v29, vm0, $0xb8;
	[tilespmem:$0x1C180] =	vst v63  }
0x1b5: {  	s29 =	simm.s32 $0x7800  }
0x1b6: {  	[tilespmem:s29], [sflag:$0x1] =	stream.indirect_vreg.gather [hbm4b:s7+s3], $0x80, v29, vm0, $0xb8;
	[tilespmem:$0x1C180] =	vst v63  }
0x1b7: {  	_ =	swait.ge [sflag:s1], $0x8000  }
0x1b8: {  	[sflag:s1] =	ssyncset.done $0x0  }
0x1b9: {  	s28 =	rddreg [dreg:$0x12];
	[sflag:s1] =	ssyncadd.s32 $0xFFFF8000  }
0x1ba: {  	[hbm4b:s28+s3] =	stream.linear.scatter [tilespmem:s3], [sflag:$0x2], $0x8000, $0x38;
	[tilespmem:$0x1C180] =	vst v63  }
0x1bb: {  	s4 =	rddreg [dreg:$0x13]  }
0x1bc: {  	[hbm4b:s4+s3] =	stream.linear.scatter [tilespmem:s3], [sflag:$0x2], $0x8000, $0x38;
	[tilespmem:$0x1C180] =	vst v63  }
0x1bd: {  	s28 =	rddreg [dreg:$0x14]  }
0x1be: {  	[hbm4b:s28+s3] =	stream.linear.scatter [tilespmem:s3], [sflag:$0x2], $0x8000, $0x38;
	[tilespmem:$0x1C180] =	vst v63  }
0x1bf: {  	s4 =	rddreg [dreg:$0x15]  }
0x1c0: {  	[hbm4b:s4+s3] =	stream.linear.scatter [tilespmem:s3], [sflag:$0x2], $0x8000, $0x38;
	[tilespmem:$0x1C180] =	vst v63  }
0x1c1: {  	_ =	swait.ge [sflag:s26], $0xC000  }
0x1c2: {  	[sflag:s26] =	ssyncset.done $0x0  }
0x1c3: {  	[sflag:s26] =	ssyncadd.s32 $0xFFFF4000  }
0x1c4: {  	_ =	swait.ge [sflag:s26], $0xC000  }
0x1c5: {  	[sflag:s26] =	ssyncset.done $0x0  }
0x1c6: {  	[sflag:s26] =	ssyncadd.s32 $0xFFFF4000  }
0x1c7: {  	_ =	swait.ge [sflag:s26], $0xC000  }
0x1c8: {  	[sflag:s26] =	ssyncset.done $0x0  }
0x1c9: {  	[sflag:s26] =	ssyncadd.s32 $0xFFFF4000  }
0x1ca: {  	_ =	swait.ge [sflag:s26], $0xC000  }
0x1cb: {  	[sflag:s26] =	ssyncset.done $0x0  }
0x1cc: {  	[sflag:s26] =	ssyncadd.s32 $0xFFFF4000  }
0x1cd: {  	_ =	swait.ge [sflag:s26], $0x8000  }
0x1ce: {  	[sflag:s26] =	ssyncset.done $0x0  }
0x1cf: {  	[sflag:s26] =	ssyncadd.s32 $0xFFFF8000  }
0x1d0: {  	_ =	swait.ge [sflag:s26], $0x8000  }
0x1d1: {  	[sflag:s26] =	ssyncset.done $0x0  }
0x1d2: {  	[sflag:s26] =	ssyncadd.s32 $0xFFFF8000  }
0x1d3: {  	p0 =	sne.s32 s8, $0x1;
	_ =	swait.ge [sflag:s26], $0x8000  }
.Ltmp0:
0x1d4: {  	[sflag:s26] =	ssyncset.done $0x0;
	(pc) =	sbr.rel @p0 .LBB2_1-.Ltmp0, $4  }
0x1d5: {  	[sflag:s26] =	ssyncadd.s32 $0xFFFF8000  }
0x1d6: {  	_ =	swait.ge [sflag:s26], $0x8000  }
0x1d7: {  	[sflag:s26] =	ssyncset.done $0x0  }
0x1d8: {  	s8 =	sadd.s32 $0xFFFFFFFF, s8;
	[sflag:s26] =	ssyncadd.s32 $0xFFFF8000  }
0x1d9: {  	_ =	sfence.sel $0x180000  }
0x1da: {  	[bflag:$0x0] =	sbarrier.arrive $0xFFFF  }
0x1db: {  	_ =	strace $0x90000047  }
0x1dc: {  	s0 =	stileid.u32;
	[bflag:$0x2] =	sbarrier.arrive $0xFFFF  }
0x1dd: {  	p0 =	sne.s32 s0, $0x0;
	s0 =	rddreg [dreg:$0x2]  }
0x1de: {  	s0 =	sadd.s32 @!p0 $0x100000, s0  }
0x1df: {  	[sflag:s0] =	ssyncadd.tile.s32 @!p0 $0x1;
	_ =	shalt  }
.Lfunc_end2:
_tile_overlayer_lowered:
.L_overlay_start_2:
0x1e0: {  	(tag) =	ssettag $0x2  }
0x1e1: {  	s0 =	rddreg [dreg:$0x0];
	s2 =	stileid.u32  }
0x1e2: {  	s1 =	rddreg [dreg:$0x1];
	p0 =	sne.s32 s2, $0x0  }
0x1e3: {  	s3 =	rddreg [dreg:$0x2];
	[bflag:$0x3] =	sbarrier.arrive $0xFFFF;
	s2 =	simm.s32 @!p0 $0x1C03  }
0x1e4: {  	[timem:s3], [sflag:s2] =	dma.local @!p0 [hbm:s0], s1  }
0x1e5: {  	s0 =	simm.s32 @!p0 $0x3  }
0x1e6: {  	_ =	swait.ge @!p0 [sflag:s0], s1  }
0x1e7: {  	s1 =	ssub.s32 @!p0 $0x0, s1;
	[sflag:s0] =	ssyncset.done @!p0 $0x0  }
0x1e8: {  	[sflag:s0] =	ssyncadd.s32 @!p0 s1  }
0x1e9: {  	[bflag:$0x3] =	sbarrier.arrive $0xFFFF  }
0x1ea: {  	_ =	shalt  }

</sc_bundles>
